<compile_context>
chip_gen: v7x
topology: tpu7x:2x2x1
jax: 0.10.2.dev20260603
libtpu: 0.0.44.dev20260713+nightly
codegen_flags: <defaults>
</compile_context>

<pallas_src>
import functools

import jax
import jax.numpy as jnp
from jax import lax
from jax.experimental import pallas as pl
from jax.experimental.pallas import tpu as pltpu
from jax.experimental.pallas import tpu_sc as plsc

N = 10000
D = 128
H = 256
E = 320000
BN_EPS = 1e-5

NC = 2
NS = 16
NT = NC * NS
B = 128
GT = 20
NG = 4
NGR = E // (GT * B)
NROWS = N + 112
RPT_Z = NROWS // NS
RPT_O = 624
OUT_EXTRA = N - NS * RPT_O


def _sc_segment_sum(x, eidx4):
  mesh = plsc.VectorSubcoreMesh(core_axis_name="c", subcore_axis_name="s")

  @functools.partial(
      pl.kernel,
      out_type=jax.ShapeDtypeStruct((NC, N, D), jnp.float32),
      mesh=mesh,
      scratch_types=[
          pltpu.VMEM((GT, B), jnp.int32),
          pltpu.VMEM((GT, B), jnp.int32),
          pltpu.VMEM((GT, B), jnp.int32),
          pltpu.VMEM((GT, B), jnp.int32),
          pltpu.VMEM((B, D), jnp.float32),
          pltpu.VMEM((B, D), jnp.float32),
          pltpu.VMEM_SHARED((NROWS, D), jnp.float32),
          pltpu.SemaphoreType.DMA,
          pltpu.SemaphoreType.DMA,
          pltpu.SemaphoreType.DMA,
          pltpu.SemaphoreType.DMA,
      ],
  )
  def k(x_hbm, eidx_hbm, out_hbm, sidx0, didx0, sidx1, didx1,
        rows0, rows1, agg, sem0, sem1, isem0, isem1):
    c = lax.axis_index("c")
    s = lax.axis_index("s")
    t = c * NS + s
    fgbase = t * NG

    def stage(fg, sidx, didx, isem):
      pltpu.async_copy(eidx_hbm.at[0, fg], sidx, isem)
      pltpu.async_copy(eidx_hbm.at[1, fg], didx, isem)

    def swait(sidx, didx, isem):
      pltpu.make_async_copy(eidx_hbm.at[0, 0], sidx, isem).wait()
      pltpu.make_async_copy(eidx_hbm.at[1, 0], didx, isem).wait()

    def gather(j, rows, sem, sidx):
      pltpu.async_copy(x_hbm.at[sidx.at[j]], rows, sem)

    def gwait(rows, sem, sidx):
      pltpu.make_async_copy(x_hbm.at[sidx.at[0]], rows, sem).wait()

    def scat(j, rows, didx):
      pltpu.sync_copy(rows, agg.at[didx.at[j]], add=True)

    stage(fgbase, sidx0, didx0, isem0)

    @pl.when(fgbase + 1 < NGR)
    def _():
      stage(fgbase + 1, sidx1, didx1, isem1)

    swait(sidx0, didx0, isem0)

    zv = jnp.zeros((16,), jnp.float32)

    def zbody(i, c2):
      for l in range(D // 16):
        rows0[i, pl.ds(l * 16, 16)] = zv
      return c2

    lax.fori_loop(0, B, zbody, 0)
    zbase = s * RPT_Z
    for kk in range(RPT_Z // B):
      pltpu.async_copy(rows0, agg.at[pl.ds(zbase + kk * B, B)], sem0)
    zrem = RPT_Z - (RPT_Z // B) * B
    pltpu.async_copy(rows0.at[pl.ds(0, zrem)],
                     agg.at[pl.ds(zbase + (RPT_Z // B) * B, zrem)], sem1)
    for kk in range(RPT_Z // B):
      pltpu.make_async_copy(rows0, agg.at[pl.ds(zbase + kk * B, B)],
                            sem0).wait()
    pltpu.make_async_copy(rows0.at[pl.ds(0, zrem)],
                          agg.at[pl.ds(zbase + (RPT_Z // B) * B, zrem)],
                          sem1).wait()
    plsc.subcore_barrier()
    gather(0, rows0, sem0, sidx0)

    def rungroup(sidx, didx, nxt_pred, nxt_sidx, nxt_didx, nxt_isem):
      def body(i, c2):
        j0 = 2 * i
        gather(j0 + 1, rows1, sem1, sidx)
        gwait(rows0, sem0, sidx)
        scat(j0, rows0, didx)
        gather(j0 + 2, rows0, sem0, sidx)
        gwait(rows1, sem1, sidx)
        scat(j0 + 1, rows1, didx)
        return c2

      lax.fori_loop(0, GT // 2 - 1, body, 0)
      j0 = GT - 2
      gather(j0 + 1, rows1, sem1, sidx)
      gwait(rows0, sem0, sidx)
      scat(j0, rows0, didx)

      @pl.when(nxt_pred)
      def _():
        swait(nxt_sidx, nxt_didx, nxt_isem)
        gather(0, rows0, sem0, nxt_sidx)

      gwait(rows1, sem1, sidx)
      scat(j0 + 1, rows1, didx)

    def pair(p_, carry):
      g0 = 2 * p_
      fg0 = fgbase + g0

      @pl.when(fg0 < NGR)
      def _():
        rungroup(sidx0, didx0, fg0 + 1 < NGR, sidx1, didx1, isem1)

      @pl.when(jnp.logical_and(g0 + 2 < NG, fg0 + 2 < NGR))
      def _():
        stage(fg0 + 2, sidx0, didx0, isem0)

      @pl.when(fg0 + 1 < NGR)
      def _():
        rungroup(sidx1, didx1,
                 jnp.logical_and(g0 + 2 < NG, fg0 + 2 < NGR),
                 sidx0, didx0, isem0)

      @pl.when(jnp.logical_and(g0 + 3 < NG, fg0 + 3 < NGR))
      def _():
        stage(fg0 + 3, sidx1, didx1, isem1)

      return carry

    lax.fori_loop(0, NG // 2, pair, 0)
    plsc.subcore_barrier()
    pltpu.sync_copy(agg.at[pl.ds(s * RPT_O, RPT_O)],
                    out_hbm.at[c, pl.ds(s * RPT_O, RPT_O)])

    @pl.when(s == NS - 1)
    def _():
      pltpu.sync_copy(agg.at[pl.ds(NS * RPT_O, OUT_EXTRA)],
                      out_hbm.at[c, pl.ds(NS * RPT_O, OUT_EXTRA)])

  return k(x, eidx4)


_SBN = float(1.0 / (1.0 + BN_EPS) ** 0.5)


def _mlp(eps2, x, p, W1, b1, g1, be1, W2, b2, g2, be2):
  RB = 2000
  G = N // RB

  def body(eps_ref, x_ref, p0_ref, p1_ref, w1_ref, b1_ref, g1_ref, be1_ref,
           w2_ref, b2_ref, g2_ref, be2_ref, o_ref):
    xb = x_ref[...]
    a = xb * (1.0 + eps_ref[0, 0]) + p0_ref[0] + p1_ref[0]
    w1 = (w1_ref[...] * (g1_ref[...] * _SBN)).astype(jnp.bfloat16)
    h = jnp.dot(a.astype(jnp.bfloat16), w1,
                preferred_element_type=jnp.float32)
    h = jnp.maximum(h + (b1_ref[...] * g1_ref[...] * _SBN + be1_ref[...]),
                    0.0)
    w2 = (w2_ref[...] * (g2_ref[...] * _SBN)).astype(jnp.bfloat16)
    o = jnp.dot(h.astype(jnp.bfloat16), w2,
                preferred_element_type=jnp.float32)
    o_ref[...] = jnp.maximum(
        o + (b2_ref[...] * g2_ref[...] * _SBN + be2_ref[...]) + xb, 0.0)

  row = lambda i: (0, 0)
  return pl.pallas_call(
      body,
      grid=(G,),
      in_specs=[
          pl.BlockSpec(memory_space=pltpu.SMEM),
          pl.BlockSpec((RB, D), lambda i: (i, 0)),
          pl.BlockSpec((1, RB, D), lambda i: (0, i, 0)),
          pl.BlockSpec((1, RB, D), lambda i: (1, i, 0)),
          pl.BlockSpec((D, H), row),
          pl.BlockSpec((1, H), row),
          pl.BlockSpec((1, H), row),
          pl.BlockSpec((1, H), row),
          pl.BlockSpec((H, D), row),
          pl.BlockSpec((1, D), row),
          pl.BlockSpec((1, D), row),
          pl.BlockSpec((1, D), row),
      ],
      out_specs=pl.BlockSpec((RB, D), lambda i: (i, 0)),
      out_shape=jax.ShapeDtypeStruct((N, D), jnp.float32),
  )(eps2, x, p, p, W1, b1.reshape(1, H), g1.reshape(1, H),
    be1.reshape(1, H), W2, b2.reshape(1, D), g2.reshape(1, D),
    be2.reshape(1, D))


def kernel(x, edge_index, eps, W1, b1, g1, be1, W2, b2, g2, be2):
  eidx4 = edge_index.reshape(2, NGR, GT, B)
  p = _sc_segment_sum(x, eidx4)
  return _mlp(eps.reshape(1, 1), x, p, W1, b1, g1, be1, W2, b2, g2, be2)

# --- scband reference (transcript-rebuilt; emitter-appended) ---
"""Pipeline reference for scband-ginlayer-55765855371637 (READ-ONLY COPY).

The authoritative reference and input builder live on the scoring server;
editing this copy changes nothing except your own understanding.
"""

import jax, jax.numpy as jnp
import numpy as np

N = 10000
E = 320000
D = 128
H = 256  # out_dim * 2 hidden width of GIN MLP
BN_EPS = 1e-5


def setup_inputs(seed: int = 0) -> dict:
    key = jax.random.key(seed)
    ks = jax.random.split(key, 12)
    x = jax.random.normal(ks[0], (N, D), dtype=jnp.float32)
    edge_index = jax.random.randint(ks[1], (2, E), 0, N, dtype=jnp.int32)
    # GINConv learnable eps (train_eps=True), initialized to 0
    eps = jnp.zeros((), dtype=jnp.float32)
    # MLP: Linear(D, H) -> BatchNorm1d(H) -> ReLU -> Dropout -> Linear(H, D)
    W1 = jax.random.normal(ks[2], (D, H), dtype=jnp.float32) * (1.0 / np.sqrt(D))
    b1 = jnp.zeros((H,), dtype=jnp.float32)
    g1 = 1.0 + 0.1 * jax.random.normal(ks[3], (H,), dtype=jnp.float32)
    be1 = 0.1 * jax.random.normal(ks[4], (H,), dtype=jnp.float32)
    W2 = jax.random.normal(ks[5], (H, D), dtype=jnp.float32) * (1.0 / np.sqrt(H))
    b2 = jnp.zeros((D,), dtype=jnp.float32)
    # outer BatchNorm(out_dim)
    g2 = 1.0 + 0.1 * jax.random.normal(ks[6], (D,), dtype=jnp.float32)
    be2 = 0.1 * jax.random.normal(ks[7], (D,), dtype=jnp.float32)
    return {"x": x, "edge_index": edge_index, "eps": eps, "W1": W1, "b1": b1,
            "g1": g1, "be1": be1, "W2": W2, "b2": b2, "g2": g2, "be2": be2}


def reference(x, edge_index, eps, W1, b1, g1, be1, W2, b2, g2, be2):
    # identity = residual(x); in_dim == out_dim so residual is Identity
    identity = x
    # GINConv: sum-aggregate neighbor features, then (1+eps)*x + aggr, then MLP
    src = edge_index[0]
    dst = edge_index[1]
    msgs = jnp.take(x, src, axis=0)               # gather x_j for each edge
    agg = jax.ops.segment_sum(msgs, dst, num_segments=N)  # scatter-add to dst nodes
    h = (1.0 + eps) * x + agg
    # MLP (eval mode: BN uses running stats mean=0, var=1; dropout disabled)
    h = h @ W1 + b1
    h = g1 * (h / jnp.sqrt(1.0 + BN_EPS)) + be1
    h = jax.nn.relu(h)
    h = h @ W2 + b2
    # outer BatchNorm (eval mode, running stats mean=0, var=1)
    h = g2 * (h / jnp.sqrt(1.0 + BN_EPS)) + be2
    return jax.nn.relu(h + identity)

if __name__ == "__main__":
    import jax
    _d = setup_inputs()
    print(jax.jit(kernel)(*tuple(_d.values())))

</pallas_src>

<mosaic_0001>
#map = affine_map<(d0, d1) -> (0, 0)>
#map1 = affine_map<(d0, d1) -> (0, 0, 0, 0)>
#map2 = affine_map<(d0, d1) -> (0, 0, 0)>
module attributes {stable_mosaic.version = 14 : i64} {
  func.func @k(%arg0: i32, %arg1: i32, %arg2: memref<10000x128xf32, #tpu.memory_space<hbm>>, %arg3: memref<2x125x20x128xi32, #tpu.memory_space<hbm>>, %arg4: memref<2x10000x128xf32, #tpu.memory_space<hbm>>, %arg5: memref<20x128xi32, #tpu.memory_space<vmem>>, %arg6: memref<20x128xi32, #tpu.memory_space<vmem>>, %arg7: memref<20x128xi32, #tpu.memory_space<vmem>>, %arg8: memref<20x128xi32, #tpu.memory_space<vmem>>, %arg9: memref<128x128xf32, #tpu.memory_space<vmem>>, %arg10: memref<128x128xf32, #tpu.memory_space<vmem>>, %arg11: memref<10112x128xf32, #tpu.memory_space<vmem_shared>>, %arg12: memref<!tpu.dma_semaphore, #tpu.memory_space<semaphore_mem>>, %arg13: memref<!tpu.dma_semaphore, #tpu.memory_space<semaphore_mem>>, %arg14: memref<!tpu.dma_semaphore, #tpu.memory_space<semaphore_mem>>, %arg15: memref<!tpu.dma_semaphore, #tpu.memory_space<semaphore_mem>>) attributes {dimension_semantics = [#tpu.dimension_semantics<core_parallel>, #tpu.dimension_semantics<subcore_parallel>], iteration_bounds = array<i64: 2, 16>, scalar_prefetch = 0 : i64, scratch_operands = 11 : i64, tpu.core_type = #tpu.core_type<sc_vector_subcore>, window_params = [{transform_indices = #map}, {transform_indices = #map1}, {transform_indices = #map2}]} {
    %mul3A = arith.constant 16 : i32
    %mul3A_0 = arith.muli %arg0, %mul3A : i32
    %add3A = arith.addi %mul3A_0, %arg1 : i32
    %mul3A_1 = arith.constant 4 : i32
    %mul3A_2 = arith.muli %add3A, %mul3A_1 : i32
    %dma_start3A = arith.constant 0 : i32
    %dma_start3A_3 = arith.constant 0 : i32
    %dma_start3A_4 = arith.constant 0 : i32
    %dma_start3A_5 = tpu.memref_slice %arg3[%dma_start3A, %mul3A_2, %dma_start3A_3, %dma_start3A_4] : memref<2x125x20x128xi32, #tpu.memory_space<hbm>> -> memref<1x1x20x128xi32, #tpu.memory_space<hbm>>
    %dma_start3A_6 = tpu.memref_squeeze %dma_start3A_5 : memref<1x1x20x128xi32, #tpu.memory_space<hbm>> -> memref<20x128xi32, #tpu.memory_space<hbm>>
    %dma_start3A_7 = arith.constant 0 : i32
    %dma_start3A_8 = arith.constant 0 : i32
    %dma_start3A_9 = tpu.memref_slice %arg3[%dma_start3A, %mul3A_2, %dma_start3A_7, %dma_start3A_8] : memref<2x125x20x128xi32, #tpu.memory_space<hbm>> -> memref<1x1x20x128xi32, #tpu.memory_space<hbm>>
    %dma_start3A_10 = tpu.memref_squeeze %dma_start3A_9 : memref<1x1x20x128xi32, #tpu.memory_space<hbm>> -> memref<20x128xi32, #tpu.memory_space<hbm>>
    tpu.enqueue_dma source(%dma_start3A_10 : memref<20x128xi32, #tpu.memory_space<hbm>>) target(%arg5 : memref<20x128xi32, #tpu.memory_space<vmem>>) target_semaphore(%arg14 : memref<!tpu.dma_semaphore, #tpu.memory_space<semaphore_mem>>)
    %dma_start3A_11 = arith.constant 1 : i32
    %dma_start3A_12 = arith.constant 0 : i32
    %dma_start3A_13 = arith.constant 0 : i32
    %dma_start3A_14 = tpu.memref_slice %arg3[%dma_start3A_11, %mul3A_2, %dma_start3A_12, %dma_start3A_13] : memref<2x125x20x128xi32, #tpu.memory_space<hbm>> -> memref<1x1x20x128xi32, #tpu.memory_space<hbm>>
    %dma_start3A_15 = tpu.memref_squeeze %dma_start3A_14 : memref<1x1x20x128xi32, #tpu.memory_space<hbm>> -> memref<20x128xi32, #tpu.memory_space<hbm>>
    %dma_start3A_16 = arith.constant 0 : i32
    %dma_start3A_17 = arith.constant 0 : i32
    %dma_start3A_18 = tpu.memref_slice %arg3[%dma_start3A_11, %mul3A_2, %dma_start3A_16, %dma_start3A_17] : memref<2x125x20x128xi32, #tpu.memory_space<hbm>> -> memref<1x1x20x128xi32, #tpu.memory_space<hbm>>
    %dma_start3A_19 = tpu.memref_squeeze %dma_start3A_18 : memref<1x1x20x128xi32, #tpu.memory_space<hbm>> -> memref<20x128xi32, #tpu.memory_space<hbm>>
    tpu.enqueue_dma source(%dma_start3A_19 : memref<20x128xi32, #tpu.memory_space<hbm>>) target(%arg6 : memref<20x128xi32, #tpu.memory_space<vmem>>) target_semaphore(%arg14 : memref<!tpu.dma_semaphore, #tpu.memory_space<semaphore_mem>>)
    %add3A_20 = arith.constant 1 : i32
    %add3A_21 = arith.addi %mul3A_2, %add3A_20 : i32
    %lt3A = arith.constant 125 : i32
    %lt3A_22 = arith.cmpi slt, %add3A_21, %lt3A : i32
    %convert_element_type3A = arith.extui %lt3A_22 : i1 to i32
    %cond3A = arith.constant 0 : i32
    %cond3A_23 = arith.cmpi ne, %convert_element_type3A, %cond3A : i32
    scf.if %cond3A_23 {
      %add3A_145 = arith.constant 1 : i32
      %add3A_146 = arith.addi %mul3A_2, %add3A_145 : i32
      %dma_start3A_147 = arith.constant 0 : i32
      %dma_start3A_148 = arith.constant 0 : i32
      %dma_start3A_149 = arith.constant 0 : i32
      %dma_start3A_150 = tpu.memref_slice %arg3[%dma_start3A_147, %add3A_146, %dma_start3A_148, %dma_start3A_149] : memref<2x125x20x128xi32, #tpu.memory_space<hbm>> -> memref<1x1x20x128xi32, #tpu.memory_space<hbm>>
      %dma_start3A_151 = tpu.memref_squeeze %dma_start3A_150 : memref<1x1x20x128xi32, #tpu.memory_space<hbm>> -> memref<20x128xi32, #tpu.memory_space<hbm>>
      %dma_start3A_152 = arith.constant 0 : i32
      %dma_start3A_153 = arith.constant 0 : i32
      %dma_start3A_154 = tpu.memref_slice %arg3[%dma_start3A_147, %add3A_146, %dma_start3A_152, %dma_start3A_153] : memref<2x125x20x128xi32, #tpu.memory_space<hbm>> -> memref<1x1x20x128xi32, #tpu.memory_space<hbm>>
      %dma_start3A_155 = tpu.memref_squeeze %dma_start3A_154 : memref<1x1x20x128xi32, #tpu.memory_space<hbm>> -> memref<20x128xi32, #tpu.memory_space<hbm>>
      tpu.enqueue_dma source(%dma_start3A_155 : memref<20x128xi32, #tpu.memory_space<hbm>>) target(%arg7 : memref<20x128xi32, #tpu.memory_space<vmem>>) target_semaphore(%arg15 : memref<!tpu.dma_semaphore, #tpu.memory_space<semaphore_mem>>)
      %dma_start3A_156 = arith.constant 1 : i32
      %dma_start3A_157 = arith.constant 0 : i32
      %dma_start3A_158 = arith.constant 0 : i32
      %dma_start3A_159 = tpu.memref_slice %arg3[%dma_start3A_156, %add3A_146, %dma_start3A_157, %dma_start3A_158] : memref<2x125x20x128xi32, #tpu.memory_space<hbm>> -> memref<1x1x20x128xi32, #tpu.memory_space<hbm>>
      %dma_start3A_160 = tpu.memref_squeeze %dma_start3A_159 : memref<1x1x20x128xi32, #tpu.memory_space<hbm>> -> memref<20x128xi32, #tpu.memory_space<hbm>>
      %dma_start3A_161 = arith.constant 0 : i32
      %dma_start3A_162 = arith.constant 0 : i32
      %dma_start3A_163 = tpu.memref_slice %arg3[%dma_start3A_156, %add3A_146, %dma_start3A_161, %dma_start3A_162] : memref<2x125x20x128xi32, #tpu.memory_space<hbm>> -> memref<1x1x20x128xi32, #tpu.memory_space<hbm>>
      %dma_start3A_164 = tpu.memref_squeeze %dma_start3A_163 : memref<1x1x20x128xi32, #tpu.memory_space<hbm>> -> memref<20x128xi32, #tpu.memory_space<hbm>>
      tpu.enqueue_dma source(%dma_start3A_164 : memref<20x128xi32, #tpu.memory_space<hbm>>) target(%arg8 : memref<20x128xi32, #tpu.memory_space<vmem>>) target_semaphore(%arg15 : memref<!tpu.dma_semaphore, #tpu.memory_space<semaphore_mem>>)
    } else {
    }
    %dma_wait3A = arith.constant 0 : i32
    %dma_wait3A_24 = arith.constant 0 : i32
    %dma_wait3A_25 = arith.constant 0 : i32
    %dma_wait3A_26 = arith.constant 0 : i32
    %dma_wait3A_27 = tpu.memref_slice %arg3[%dma_wait3A, %dma_wait3A_24, %dma_wait3A_25, %dma_wait3A_26] : memref<2x125x20x128xi32, #tpu.memory_space<hbm>> -> memref<1x1x20x128xi32, #tpu.memory_space<hbm>>
    %dma_wait3A_28 = tpu.memref_squeeze %dma_wait3A_27 : memref<1x1x20x128xi32, #tpu.memory_space<hbm>> -> memref<20x128xi32, #tpu.memory_space<hbm>>
    %dma_wait3A_29 = arith.constant 0 : i32
    %dma_wait3A_30 = arith.constant 0 : i32
    %dma_wait3A_31 = tpu.memref_slice %arg3[%dma_wait3A, %dma_wait3A_24, %dma_wait3A_29, %dma_wait3A_30] : memref<2x125x20x128xi32, #tpu.memory_space<hbm>> -> memref<1x1x20x128xi32, #tpu.memory_space<hbm>>
    %dma_wait3A_32 = tpu.memref_squeeze %dma_wait3A_31 : memref<1x1x20x128xi32, #tpu.memory_space<hbm>> -> memref<20x128xi32, #tpu.memory_space<hbm>>
    tpu.wait_dma2 semaphore(%arg14 : memref<!tpu.dma_semaphore, #tpu.memory_space<semaphore_mem>>) src(%dma_wait3A_32 : memref<20x128xi32, #tpu.memory_space<hbm>>) dst(%arg5 : memref<20x128xi32, #tpu.memory_space<vmem>>)
    %dma_wait3A_33 = arith.constant 1 : i32
    %dma_wait3A_34 = arith.constant 0 : i32
    %dma_wait3A_35 = arith.constant 0 : i32
    %dma_wait3A_36 = arith.constant 0 : i32
    %dma_wait3A_37 = tpu.memref_slice %arg3[%dma_wait3A_33, %dma_wait3A_34, %dma_wait3A_35, %dma_wait3A_36] : memref<2x125x20x128xi32, #tpu.memory_space<hbm>> -> memref<1x1x20x128xi32, #tpu.memory_space<hbm>>
    %dma_wait3A_38 = tpu.memref_squeeze %dma_wait3A_37 : memref<1x1x20x128xi32, #tpu.memory_space<hbm>> -> memref<20x128xi32, #tpu.memory_space<hbm>>
    %dma_wait3A_39 = arith.constant 0 : i32
    %dma_wait3A_40 = arith.constant 0 : i32
    %dma_wait3A_41 = tpu.memref_slice %arg3[%dma_wait3A_33, %dma_wait3A_34, %dma_wait3A_39, %dma_wait3A_40] : memref<2x125x20x128xi32, #tpu.memory_space<hbm>> -> memref<1x1x20x128xi32, #tpu.memory_space<hbm>>
    %dma_wait3A_42 = tpu.memref_squeeze %dma_wait3A_41 : memref<1x1x20x128xi32, #tpu.memory_space<hbm>> -> memref<20x128xi32, #tpu.memory_space<hbm>>
    tpu.wait_dma2 semaphore(%arg14 : memref<!tpu.dma_semaphore, #tpu.memory_space<semaphore_mem>>) src(%dma_wait3A_42 : memref<20x128xi32, #tpu.memory_space<hbm>>) dst(%arg6 : memref<20x128xi32, #tpu.memory_space<vmem>>)
    %broadcast_in_dim3A = arith.constant 0.000000e+00 : f32
    %broadcast_in_dim3A_43 = vector.broadcast %broadcast_in_dim3A : f32 to vector<16xf32>
    %scan3A = arith.constant 0 : i32
    %scan3A_44 = arith.constant 0 : i32
    %scan3A_45 = arith.constant 128 : i32
    %scan3A_46 = arith.addi %scan3A_44, %scan3A_45 : i32
    %scan3A_47 = arith.constant 1 : i32
    scf.for %scan3A_145 = %scan3A_44 to %scan3A_46 step %scan3A_47  : i32 {
      %swap3A = arith.index_cast %scan3A_145 : i32 to index
      %swap3A_146 = arith.constant 0 : index
      %swap3A_147 = tpu.vector_load %arg9[%swap3A, %swap3A_146] {strides = array<i32>} : memref<128x128xf32, #tpu.memory_space<vmem>>, vector<1x16xf32>,
      %swap3A_148 = vector.shape_cast %swap3A_147 : vector<1x16xf32> to vector<16xf32>
      %swap3A_149 = vector.shape_cast %broadcast_in_dim3A_43 : vector<16xf32> to vector<1x16xf32>
      tpu.vector_store %arg9[%swap3A, %swap3A_146], %swap3A_149 {strides = array<i32>} : memref<128x128xf32, #tpu.memory_space<vmem>>, vector<1x16xf32>,
      %swap3A_150 = arith.index_cast %scan3A_145 : i32 to index
      %swap3A_151 = arith.constant 16 : index
      %swap3A_152 = tpu.vector_load %arg9[%swap3A_150, %swap3A_151] {strides = array<i32>} : memref<128x128xf32, #tpu.memory_space<vmem>>, vector<1x16xf32>,
      %swap3A_153 = vector.shape_cast %swap3A_152 : vector<1x16xf32> to vector<16xf32>
      %swap3A_154 = vector.shape_cast %broadcast_in_dim3A_43 : vector<16xf32> to vector<1x16xf32>
      tpu.vector_store %arg9[%swap3A_150, %swap3A_151], %swap3A_154 {strides = array<i32>} : memref<128x128xf32, #tpu.memory_space<vmem>>, vector<1x16xf32>,
      %swap3A_155 = arith.index_cast %scan3A_145 : i32 to index
      %swap3A_156 = arith.constant 32 : index
      %swap3A_157 = tpu.vector_load %arg9[%swap3A_155, %swap3A_156] {strides = array<i32>} : memref<128x128xf32, #tpu.memory_space<vmem>>, vector<1x16xf32>,
      %swap3A_158 = vector.shape_cast %swap3A_157 : vector<1x16xf32> to vector<16xf32>
      %swap3A_159 = vector.shape_cast %broadcast_in_dim3A_43 : vector<16xf32> to vector<1x16xf32>
      tpu.vector_store %arg9[%swap3A_155, %swap3A_156], %swap3A_159 {strides = array<i32>} : memref<128x128xf32, #tpu.memory_space<vmem>>, vector<1x16xf32>,
      %swap3A_160 = arith.index_cast %scan3A_145 : i32 to index
      %swap3A_161 = arith.constant 48 : index
      %swap3A_162 = tpu.vector_load %arg9[%swap3A_160, %swap3A_161] {strides = array<i32>} : memref<128x128xf32, #tpu.memory_space<vmem>>, vector<1x16xf32>,
      %swap3A_163 = vector.shape_cast %swap3A_162 : vector<1x16xf32> to vector<16xf32>
      %swap3A_164 = vector.shape_cast %broadcast_in_dim3A_43 : vector<16xf32> to vector<1x16xf32>
      tpu.vector_store %arg9[%swap3A_160, %swap3A_161], %swap3A_164 {strides = array<i32>} : memref<128x128xf32, #tpu.memory_space<vmem>>, vector<1x16xf32>,
      %swap3A_165 = arith.index_cast %scan3A_145 : i32 to index
      %swap3A_166 = arith.constant 64 : index
      %swap3A_167 = tpu.vector_load %arg9[%swap3A_165, %swap3A_166] {strides = array<i32>} : memref<128x128xf32, #tpu.memory_space<vmem>>, vector<1x16xf32>,
      %swap3A_168 = vector.shape_cast %swap3A_167 : vector<1x16xf32> to vector<16xf32>
      %swap3A_169 = vector.shape_cast %broadcast_in_dim3A_43 : vector<16xf32> to vector<1x16xf32>
      tpu.vector_store %arg9[%swap3A_165, %swap3A_166], %swap3A_169 {strides = array<i32>} : memref<128x128xf32, #tpu.memory_space<vmem>>, vector<1x16xf32>,
      %swap3A_170 = arith.index_cast %scan3A_145 : i32 to index
      %swap3A_171 = arith.constant 80 : index
      %swap3A_172 = tpu.vector_load %arg9[%swap3A_170, %swap3A_171] {strides = array<i32>} : memref<128x128xf32, #tpu.memory_space<vmem>>, vector<1x16xf32>,
      %swap3A_173 = vector.shape_cast %swap3A_172 : vector<1x16xf32> to vector<16xf32>
      %swap3A_174 = vector.shape_cast %broadcast_in_dim3A_43 : vector<16xf32> to vector<1x16xf32>
      tpu.vector_store %arg9[%swap3A_170, %swap3A_171], %swap3A_174 {strides = array<i32>} : memref<128x128xf32, #tpu.memory_space<vmem>>, vector<1x16xf32>,
      %swap3A_175 = arith.index_cast %scan3A_145 : i32 to index
      %swap3A_176 = arith.constant 96 : index
      %swap3A_177 = tpu.vector_load %arg9[%swap3A_175, %swap3A_176] {strides = array<i32>} : memref<128x128xf32, #tpu.memory_space<vmem>>, vector<1x16xf32>,
      %swap3A_178 = vector.shape_cast %swap3A_177 : vector<1x16xf32> to vector<16xf32>
      %swap3A_179 = vector.shape_cast %broadcast_in_dim3A_43 : vector<16xf32> to vector<1x16xf32>
      tpu.vector_store %arg9[%swap3A_175, %swap3A_176], %swap3A_179 {strides = array<i32>} : memref<128x128xf32, #tpu.memory_space<vmem>>, vector<1x16xf32>,
      %swap3A_180 = arith.index_cast %scan3A_145 : i32 to index
      %swap3A_181 = arith.constant 112 : index
      %swap3A_182 = tpu.vector_load %arg9[%swap3A_180, %swap3A_181] {strides = array<i32>} : memref<128x128xf32, #tpu.memory_space<vmem>>, vector<1x16xf32>,
      %swap3A_183 = vector.shape_cast %swap3A_182 : vector<1x16xf32> to vector<16xf32>
      %swap3A_184 = vector.shape_cast %broadcast_in_dim3A_43 : vector<16xf32> to vector<1x16xf32>
      tpu.vector_store %arg9[%swap3A_180, %swap3A_181], %swap3A_184 {strides = array<i32>} : memref<128x128xf32, #tpu.memory_space<vmem>>, vector<1x16xf32>,
    }
    %scan3A_48 = arith.constant 128 : i32
    %mul3A_49 = arith.constant 632 : i32
    %mul3A_50 = arith.muli %arg1, %mul3A_49 : i32
    %add3A_51 = arith.constant 0 : i32
    %add3A_52 = arith.addi %mul3A_50, %add3A_51 : i32
    %dma_start3A_53 = arith.constant 0 : i32
    %dma_start3A_54 = tpu.memref_slice %arg11[%add3A_52, %dma_start3A_53] : memref<10112x128xf32, #tpu.memory_space<vmem_shared>> -> memref<128x128xf32, #tpu.memory_space<vmem_shared>>
    %dma_start3A_55 = arith.constant 0 : i32
    %dma_start3A_56 = tpu.memref_slice %arg11[%add3A_52, %dma_start3A_55] : memref<10112x128xf32, #tpu.memory_space<vmem_shared>> -> memref<128x128xf32, #tpu.memory_space<vmem_shared>>
    tpu.enqueue_dma source(%arg9 : memref<128x128xf32, #tpu.memory_space<vmem>>) target(%dma_start3A_56 : memref<128x128xf32, #tpu.memory_space<vmem_shared>>) target_semaphore(%arg12 : memref<!tpu.dma_semaphore, #tpu.memory_space<semaphore_mem>>)
    %add3A_57 = arith.constant 128 : i32
    %add3A_58 = arith.addi %mul3A_50, %add3A_57 : i32
    %dma_start3A_59 = arith.constant 0 : i32
    %dma_start3A_60 = tpu.memref_slice %arg11[%add3A_58, %dma_start3A_59] : memref<10112x128xf32, #tpu.memory_space<vmem_shared>> -> memref<128x128xf32, #tpu.memory_space<vmem_shared>>
    %dma_start3A_61 = arith.constant 0 : i32
    %dma_start3A_62 = tpu.memref_slice %arg11[%add3A_58, %dma_start3A_61] : memref<10112x128xf32, #tpu.memory_space<vmem_shared>> -> memref<128x128xf32, #tpu.memory_space<vmem_shared>>
    tpu.enqueue_dma source(%arg9 : memref<128x128xf32, #tpu.memory_space<vmem>>) target(%dma_start3A_62 : memref<128x128xf32, #tpu.memory_space<vmem_shared>>) target_semaphore(%arg12 : memref<!tpu.dma_semaphore, #tpu.memory_space<semaphore_mem>>)
    %add3A_63 = arith.constant 256 : i32
    %add3A_64 = arith.addi %mul3A_50, %add3A_63 : i32
    %dma_start3A_65 = arith.constant 0 : i32
    %dma_start3A_66 = tpu.memref_slice %arg11[%add3A_64, %dma_start3A_65] : memref<10112x128xf32, #tpu.memory_space<vmem_shared>> -> memref<128x128xf32, #tpu.memory_space<vmem_shared>>
    %dma_start3A_67 = arith.constant 0 : i32
    %dma_start3A_68 = tpu.memref_slice %arg11[%add3A_64, %dma_start3A_67] : memref<10112x128xf32, #tpu.memory_space<vmem_shared>> -> memref<128x128xf32, #tpu.memory_space<vmem_shared>>
    tpu.enqueue_dma source(%arg9 : memref<128x128xf32, #tpu.memory_space<vmem>>) target(%dma_start3A_68 : memref<128x128xf32, #tpu.memory_space<vmem_shared>>) target_semaphore(%arg12 : memref<!tpu.dma_semaphore, #tpu.memory_space<semaphore_mem>>)
    %add3A_69 = arith.constant 384 : i32
    %add3A_70 = arith.addi %mul3A_50, %add3A_69 : i32
    %dma_start3A_71 = arith.constant 0 : i32
    %dma_start3A_72 = tpu.memref_slice %arg11[%add3A_70, %dma_start3A_71] : memref<10112x128xf32, #tpu.memory_space<vmem_shared>> -> memref<128x128xf32, #tpu.memory_space<vmem_shared>>
    %dma_start3A_73 = arith.constant 0 : i32
    %dma_start3A_74 = tpu.memref_slice %arg11[%add3A_70, %dma_start3A_73] : memref<10112x128xf32, #tpu.memory_space<vmem_shared>> -> memref<128x128xf32, #tpu.memory_space<vmem_shared>>
    tpu.enqueue_dma source(%arg9 : memref<128x128xf32, #tpu.memory_space<vmem>>) target(%dma_start3A_74 : memref<128x128xf32, #tpu.memory_space<vmem_shared>>) target_semaphore(%arg12 : memref<!tpu.dma_semaphore, #tpu.memory_space<semaphore_mem>>)
    %add3A_75 = arith.constant 512 : i32
    %add3A_76 = arith.addi %mul3A_50, %add3A_75 : i32
    %dma_start3A_77 = arith.constant 0 : i32
    %dma_start3A_78 = arith.constant 0 : i32
    %dma_start3A_79 = tpu.memref_slice %arg9[%dma_start3A_77, %dma_start3A_78] : memref<128x128xf32, #tpu.memory_space<vmem>> -> memref<120x128xf32, #tpu.memory_space<vmem>>
    %dma_start3A_80 = arith.constant 0 : i32
    %dma_start3A_81 = tpu.memref_slice %arg11[%add3A_76, %dma_start3A_80] : memref<10112x128xf32, #tpu.memory_space<vmem_shared>> -> memref<120x128xf32, #tpu.memory_space<vmem_shared>>
    %dma_start3A_82 = arith.constant 0 : i32
    %dma_start3A_83 = tpu.memref_slice %arg11[%add3A_76, %dma_start3A_82] : memref<10112x128xf32, #tpu.memory_space<vmem_shared>> -> memref<120x128xf32, #tpu.memory_space<vmem_shared>>
    %dma_start3A_84 = arith.constant 0 : i32
    %dma_start3A_85 = arith.constant 0 : i32
    %dma_start3A_86 = tpu.memref_slice %arg9[%dma_start3A_84, %dma_start3A_85] : memref<128x128xf32, #tpu.memory_space<vmem>> -> memref<120x128xf32, #tpu.memory_space<vmem>>
    tpu.enqueue_dma source(%dma_start3A_86 : memref<120x128xf32, #tpu.memory_space<vmem>>) target(%dma_start3A_83 : memref<120x128xf32, #tpu.memory_space<vmem_shared>>) target_semaphore(%arg13 : memref<!tpu.dma_semaphore, #tpu.memory_space<semaphore_mem>>)
    %add3A_87 = arith.constant 0 : i32
    %add3A_88 = arith.addi %mul3A_50, %add3A_87 : i32
    %dma_wait3A_89 = arith.constant 0 : i32
    %dma_wait3A_90 = tpu.memref_slice %arg11[%add3A_88, %dma_wait3A_89] : memref<10112x128xf32, #tpu.memory_space<vmem_shared>> -> memref<128x128xf32, #tpu.memory_space<vmem_shared>>
    %dma_wait3A_91 = arith.constant 0 : i32
    %dma_wait3A_92 = tpu.memref_slice %arg11[%add3A_88, %dma_wait3A_91] : memref<10112x128xf32, #tpu.memory_space<vmem_shared>> -> memref<128x128xf32, #tpu.memory_space<vmem_shared>>
    tpu.wait_dma2 semaphore(%arg12 : memref<!tpu.dma_semaphore, #tpu.memory_space<semaphore_mem>>) src(%arg9 : memref<128x128xf32, #tpu.memory_space<vmem>>) dst(%dma_wait3A_92 : memref<128x128xf32, #tpu.memory_space<vmem_shared>>)
    %add3A_93 = arith.constant 128 : i32
    %add3A_94 = arith.addi %mul3A_50, %add3A_93 : i32
    %dma_wait3A_95 = arith.constant 0 : i32
    %dma_wait3A_96 = tpu.memref_slice %arg11[%add3A_94, %dma_wait3A_95] : memref<10112x128xf32, #tpu.memory_space<vmem_shared>> -> memref<128x128xf32, #tpu.memory_space<vmem_shared>>
    %dma_wait3A_97 = arith.constant 0 : i32
    %dma_wait3A_98 = tpu.memref_slice %arg11[%add3A_94, %dma_wait3A_97] : memref<10112x128xf32, #tpu.memory_space<vmem_shared>> -> memref<128x128xf32, #tpu.memory_space<vmem_shared>>
    tpu.wait_dma2 semaphore(%arg12 : memref<!tpu.dma_semaphore, #tpu.memory_space<semaphore_mem>>) src(%arg9 : memref<128x128xf32, #tpu.memory_space<vmem>>) dst(%dma_wait3A_98 : memref<128x128xf32, #tpu.memory_space<vmem_shared>>)
    %add3A_99 = arith.constant 256 : i32
    %add3A_100 = arith.addi %mul3A_50, %add3A_99 : i32
    %dma_wait3A_101 = arith.constant 0 : i32
    %dma_wait3A_102 = tpu.memref_slice %arg11[%add3A_100, %dma_wait3A_101] : memref<10112x128xf32, #tpu.memory_space<vmem_shared>> -> memref<128x128xf32, #tpu.memory_space<vmem_shared>>
    %dma_wait3A_103 = arith.constant 0 : i32
    %dma_wait3A_104 = tpu.memref_slice %arg11[%add3A_100, %dma_wait3A_103] : memref<10112x128xf32, #tpu.memory_space<vmem_shared>> -> memref<128x128xf32, #tpu.memory_space<vmem_shared>>
    tpu.wait_dma2 semaphore(%arg12 : memref<!tpu.dma_semaphore, #tpu.memory_space<semaphore_mem>>) src(%arg9 : memref<128x128xf32, #tpu.memory_space<vmem>>) dst(%dma_wait3A_104 : memref<128x128xf32, #tpu.memory_space<vmem_shared>>)
    %add3A_105 = arith.constant 384 : i32
    %add3A_106 = arith.addi %mul3A_50, %add3A_105 : i32
    %dma_wait3A_107 = arith.constant 0 : i32
    %dma_wait3A_108 = tpu.memref_slice %arg11[%add3A_106, %dma_wait3A_107] : memref<10112x128xf32, #tpu.memory_space<vmem_shared>> -> memref<128x128xf32, #tpu.memory_space<vmem_shared>>
    %dma_wait3A_109 = arith.constant 0 : i32
    %dma_wait3A_110 = tpu.memref_slice %arg11[%add3A_106, %dma_wait3A_109] : memref<10112x128xf32, #tpu.memory_space<vmem_shared>> -> memref<128x128xf32, #tpu.memory_space<vmem_shared>>
    tpu.wait_dma2 semaphore(%arg12 : memref<!tpu.dma_semaphore, #tpu.memory_space<semaphore_mem>>) src(%arg9 : memref<128x128xf32, #tpu.memory_space<vmem>>) dst(%dma_wait3A_110 : memref<128x128xf32, #tpu.memory_space<vmem_shared>>)
    %add3A_111 = arith.constant 512 : i32
    %add3A_112 = arith.addi %mul3A_50, %add3A_111 : i32
    %dma_wait3A_113 = arith.constant 0 : i32
    %dma_wait3A_114 = arith.constant 0 : i32
    %dma_wait3A_115 = tpu.memref_slice %arg9[%dma_wait3A_113, %dma_wait3A_114] : memref<128x128xf32, #tpu.memory_space<vmem>> -> memref<120x128xf32, #tpu.memory_space<vmem>>
    %dma_wait3A_116 = arith.constant 0 : i32
    %dma_wait3A_117 = tpu.memref_slice %arg11[%add3A_112, %dma_wait3A_116] : memref<10112x128xf32, #tpu.memory_space<vmem_shared>> -> memref<120x128xf32, #tpu.memory_space<vmem_shared>>
    %dma_wait3A_118 = arith.constant 0 : i32
    %dma_wait3A_119 = tpu.memref_slice %arg11[%add3A_112, %dma_wait3A_118] : memref<10112x128xf32, #tpu.memory_space<vmem_shared>> -> memref<120x128xf32, #tpu.memory_space<vmem_shared>>
    %dma_wait3A_120 = arith.constant 0 : i32
    %dma_wait3A_121 = arith.constant 0 : i32
    %dma_wait3A_122 = tpu.memref_slice %arg9[%dma_wait3A_120, %dma_wait3A_121] : memref<128x128xf32, #tpu.memory_space<vmem>> -> memref<120x128xf32, #tpu.memory_space<vmem>>
    tpu.wait_dma2 semaphore(%arg13 : memref<!tpu.dma_semaphore, #tpu.memory_space<semaphore_mem>>) src(%dma_wait3A_122 : memref<120x128xf32, #tpu.memory_space<vmem>>) dst(%dma_wait3A_119 : memref<120x128xf32, #tpu.memory_space<vmem_shared>>)
    %barrier3A = arith.constant 0 : index
    tpu.barrier barrier_id(%barrier3A)
    %dma_start3A_123 = arith.constant 0 : i32
    %dma_start3A_124 = arith.constant 0 : i32
    %dma_start3A_125 = tpu.memref_slice %arg5[%dma_start3A_123, %dma_start3A_124] : memref<20x128xi32, #tpu.memory_space<vmem>> -> memref<1x128xi32, #tpu.memory_space<vmem>>
    %dma_start3A_126 = tpu.memref_squeeze %dma_start3A_125 : memref<1x128xi32, #tpu.memory_space<vmem>> -> memref<128xi32, #tpu.memory_space<vmem>>
    %dma_start3A_127 = arith.constant 0 : i32
    %dma_start3A_128 = arith.constant 0 : i32
    %dma_start3A_129 = tpu.memref_slice %arg2[%dma_start3A_127, %dma_start3A_128] : memref<10000x128xf32, #tpu.memory_space<hbm>> -> memref<10000x128xf32, #tpu.memory_space<hbm>>
    tpu.enqueue_indirect_dma source(%dma_start3A_129 : memref<10000x128xf32, #tpu.memory_space<hbm>>) target(%arg9 : memref<128x128xf32, #tpu.memory_space<vmem>>) offsets(%dma_start3A_126 : memref<128xi32, #tpu.memory_space<vmem>>) semaphore(%arg12 : memref<!tpu.dma_semaphore, #tpu.memory_space<semaphore_mem>>)
    %scan3A_130 = arith.constant 0 : i32
    %scan3A_131 = arith.constant 0 : i32
    %scan3A_132 = arith.constant 2 : i32
    %scan3A_133 = arith.addi %scan3A_131, %scan3A_132 : i32
    %scan3A_134 = arith.constant 1 : i32
    scf.for %scan3A_145 = %scan3A_131 to %scan3A_133 step %scan3A_134  : i32 {
      %mul3A_146 = arith.constant 2 : i32
      %mul3A_147 = arith.muli %mul3A_146, %scan3A_145 : i32
      %add3A_148 = arith.addi %mul3A_2, %mul3A_147 : i32
      %lt3A_149 = arith.constant 125 : i32
      %lt3A_150 = arith.cmpi slt, %add3A_148, %lt3A_149 : i32
      %convert_element_type3A_151 = arith.extui %lt3A_150 : i1 to i32
      %cond3A_152 = arith.constant 0 : i32
      %cond3A_153 = arith.cmpi ne, %convert_element_type3A_151, %cond3A_152 : i32
      scf.if %cond3A_153 {
        %add3A_184 = arith.constant 1 : i32
        %add3A_185 = arith.addi %add3A_148, %add3A_184 : i32
        %lt3A_186 = arith.constant 125 : i32
        %lt3A_187 = arith.cmpi slt, %add3A_185, %lt3A_186 : i32
        %scan3A_188 = arith.constant 0 : i32
        %scan3A_189 = arith.constant 0 : i32
        %scan3A_190 = arith.constant 9 : i32
        %scan3A_191 = arith.addi %scan3A_189, %scan3A_190 : i32
        %scan3A_192 = arith.constant 1 : i32
        scf.for %scan3A_219 = %scan3A_189 to %scan3A_191 step %scan3A_192  : i32 {
          %mul3A_220 = arith.constant 2 : i32
          %mul3A_221 = arith.muli %mul3A_220, %scan3A_219 : i32
          %add3A_222 = arith.constant 1 : i32
          %add3A_223 = arith.addi %mul3A_221, %add3A_222 : i32
          %dma_start3A_224 = arith.constant 0 : i32
          %dma_start3A_225 = tpu.memref_slice %arg5[%add3A_223, %dma_start3A_224] : memref<20x128xi32, #tpu.memory_space<vmem>> -> memref<1x128xi32, #tpu.memory_space<vmem>>
          %dma_start3A_226 = tpu.memref_squeeze %dma_start3A_225 : memref<1x128xi32, #tpu.memory_space<vmem>> -> memref<128xi32, #tpu.memory_space<vmem>>
          %dma_start3A_227 = arith.constant 0 : i32
          %dma_start3A_228 = arith.constant 0 : i32
          %dma_start3A_229 = tpu.memref_slice %arg2[%dma_start3A_227, %dma_start3A_228] : memref<10000x128xf32, #tpu.memory_space<hbm>> -> memref<10000x128xf32, #tpu.memory_space<hbm>>
          tpu.enqueue_indirect_dma source(%dma_start3A_229 : memref<10000x128xf32, #tpu.memory_space<hbm>>) target(%arg10 : memref<128x128xf32, #tpu.memory_space<vmem>>) offsets(%dma_start3A_226 : memref<128xi32, #tpu.memory_space<vmem>>) semaphore(%arg13 : memref<!tpu.dma_semaphore, #tpu.memory_space<semaphore_mem>>)
          %dma_wait3A_230 = arith.constant 0 : i32
          %dma_wait3A_231 = arith.constant 0 : i32
          %dma_wait3A_232 = tpu.memref_slice %arg5[%dma_wait3A_230, %dma_wait3A_231] : memref<20x128xi32, #tpu.memory_space<vmem>> -> memref<1x128xi32, #tpu.memory_space<vmem>>
          %dma_wait3A_233 = tpu.memref_squeeze %dma_wait3A_232 : memref<1x128xi32, #tpu.memory_space<vmem>> -> memref<128xi32, #tpu.memory_space<vmem>>
          %dma_wait3A_234 = arith.constant 0 : i32
          %dma_wait3A_235 = arith.constant 0 : i32
          %dma_wait3A_236 = tpu.memref_slice %arg2[%dma_wait3A_234, %dma_wait3A_235] : memref<10000x128xf32, #tpu.memory_space<hbm>> -> memref<10000x128xf32, #tpu.memory_space<hbm>>
          tpu.wait_indirect_dma semaphore(%arg12 : memref<!tpu.dma_semaphore, #tpu.memory_space<semaphore_mem>>) src(%dma_wait3A_236 : memref<10000x128xf32, #tpu.memory_space<hbm>>) dst(%arg9 : memref<128x128xf32, #tpu.memory_space<vmem>>)
          "tpu.region"() ({
            %run_scoped3A_254 = tpu.sem_alloc : memref<!tpu.dma_semaphore, #tpu.memory_space<semaphore_mem>>
            %dma_start3A_255 = arith.constant 0 : i32
            %dma_start3A_256 = tpu.memref_slice %arg6[%mul3A_221, %dma_start3A_255] : memref<20x128xi32, #tpu.memory_space<vmem>> -> memref<1x128xi32, #tpu.memory_space<vmem>>
            %dma_start3A_257 = tpu.memref_squeeze %dma_start3A_256 : memref<1x128xi32, #tpu.memory_space<vmem>> -> memref<128xi32, #tpu.memory_space<vmem>>
            %dma_start3A_258 = arith.constant 0 : i32
            %dma_start3A_259 = arith.constant 0 : i32
            %dma_start3A_260 = tpu.memref_slice %arg11[%dma_start3A_258, %dma_start3A_259] : memref<10112x128xf32, #tpu.memory_space<vmem_shared>> -> memref<10112x128xf32, #tpu.memory_space<vmem_shared>>
            tpu.enqueue_indirect_dma source(%arg9 : memref<128x128xf32, #tpu.memory_space<vmem>>) target(%dma_start3A_260 : memref<10112x128xf32, #tpu.memory_space<vmem_shared>>) offsets(%dma_start3A_257 : memref<128xi32, #tpu.memory_space<vmem>>) semaphore(%run_scoped3A_254 : memref<!tpu.dma_semaphore, #tpu.memory_space<semaphore_mem>>) {add = true}
            %dma_wait3A_261 = arith.constant 0 : i32
            %dma_wait3A_262 = tpu.memref_slice %arg6[%mul3A_221, %dma_wait3A_261] : memref<20x128xi32, #tpu.memory_space<vmem>> -> memref<1x128xi32, #tpu.memory_space<vmem>>
            %dma_wait3A_263 = tpu.memref_squeeze %dma_wait3A_262 : memref<1x128xi32, #tpu.memory_space<vmem>> -> memref<128xi32, #tpu.memory_space<vmem>>
            %dma_wait3A_264 = arith.constant 0 : i32
            %dma_wait3A_265 = arith.constant 0 : i32
            %dma_wait3A_266 = tpu.memref_slice %arg11[%dma_wait3A_264, %dma_wait3A_265] : memref<10112x128xf32, #tpu.memory_space<vmem_shared>> -> memref<10112x128xf32, #tpu.memory_space<vmem_shared>>
            tpu.wait_indirect_dma semaphore(%run_scoped3A_254 : memref<!tpu.dma_semaphore, #tpu.memory_space<semaphore_mem>>) src(%arg9 : memref<128x128xf32, #tpu.memory_space<vmem>>) dst(%dma_wait3A_266 : memref<10112x128xf32, #tpu.memory_space<vmem_shared>>)
            tpu.yield
          }) : () -> ()
          %add3A_237 = arith.constant 2 : i32
          %add3A_238 = arith.addi %mul3A_221, %add3A_237 : i32
          %dma_start3A_239 = arith.constant 0 : i32
          %dma_start3A_240 = tpu.memref_slice %arg5[%add3A_238, %dma_start3A_239] : memref<20x128xi32, #tpu.memory_space<vmem>> -> memref<1x128xi32, #tpu.memory_space<vmem>>
          %dma_start3A_241 = tpu.memref_squeeze %dma_start3A_240 : memref<1x128xi32, #tpu.memory_space<vmem>> -> memref<128xi32, #tpu.memory_space<vmem>>
          %dma_start3A_242 = arith.constant 0 : i32
          %dma_start3A_243 = arith.constant 0 : i32
          %dma_start3A_244 = tpu.memref_slice %arg2[%dma_start3A_242, %dma_start3A_243] : memref<10000x128xf32, #tpu.memory_space<hbm>> -> memref<10000x128xf32, #tpu.memory_space<hbm>>
          tpu.enqueue_indirect_dma source(%dma_start3A_244 : memref<10000x128xf32, #tpu.memory_space<hbm>>) target(%arg9 : memref<128x128xf32, #tpu.memory_space<vmem>>) offsets(%dma_start3A_241 : memref<128xi32, #tpu.memory_space<vmem>>) semaphore(%arg12 : memref<!tpu.dma_semaphore, #tpu.memory_space<semaphore_mem>>)
          %dma_wait3A_245 = arith.constant 0 : i32
          %dma_wait3A_246 = arith.constant 0 : i32
          %dma_wait3A_247 = tpu.memref_slice %arg5[%dma_wait3A_245, %dma_wait3A_246] : memref<20x128xi32, #tpu.memory_space<vmem>> -> memref<1x128xi32, #tpu.memory_space<vmem>>
          %dma_wait3A_248 = tpu.memref_squeeze %dma_wait3A_247 : memref<1x128xi32, #tpu.memory_space<vmem>> -> memref<128xi32, #tpu.memory_space<vmem>>
          %dma_wait3A_249 = arith.constant 0 : i32
          %dma_wait3A_250 = arith.constant 0 : i32
          %dma_wait3A_251 = tpu.memref_slice %arg2[%dma_wait3A_249, %dma_wait3A_250] : memref<10000x128xf32, #tpu.memory_space<hbm>> -> memref<10000x128xf32, #tpu.memory_space<hbm>>
          tpu.wait_indirect_dma semaphore(%arg13 : memref<!tpu.dma_semaphore, #tpu.memory_space<semaphore_mem>>) src(%dma_wait3A_251 : memref<10000x128xf32, #tpu.memory_space<hbm>>) dst(%arg10 : memref<128x128xf32, #tpu.memory_space<vmem>>)
          %add3A_252 = arith.constant 1 : i32
          %add3A_253 = arith.addi %mul3A_221, %add3A_252 : i32
          "tpu.region"() ({
            %run_scoped3A_254 = tpu.sem_alloc : memref<!tpu.dma_semaphore, #tpu.memory_space<semaphore_mem>>
            %dma_start3A_255 = arith.constant 0 : i32
            %dma_start3A_256 = tpu.memref_slice %arg6[%add3A_253, %dma_start3A_255] : memref<20x128xi32, #tpu.memory_space<vmem>> -> memref<1x128xi32, #tpu.memory_space<vmem>>
            %dma_start3A_257 = tpu.memref_squeeze %dma_start3A_256 : memref<1x128xi32, #tpu.memory_space<vmem>> -> memref<128xi32, #tpu.memory_space<vmem>>
            %dma_start3A_258 = arith.constant 0 : i32
            %dma_start3A_259 = arith.constant 0 : i32
            %dma_start3A_260 = tpu.memref_slice %arg11[%dma_start3A_258, %dma_start3A_259] : memref<10112x128xf32, #tpu.memory_space<vmem_shared>> -> memref<10112x128xf32, #tpu.memory_space<vmem_shared>>
            tpu.enqueue_indirect_dma source(%arg10 : memref<128x128xf32, #tpu.memory_space<vmem>>) target(%dma_start3A_260 : memref<10112x128xf32, #tpu.memory_space<vmem_shared>>) offsets(%dma_start3A_257 : memref<128xi32, #tpu.memory_space<vmem>>) semaphore(%run_scoped3A_254 : memref<!tpu.dma_semaphore, #tpu.memory_space<semaphore_mem>>) {add = true}
            %dma_wait3A_261 = arith.constant 0 : i32
            %dma_wait3A_262 = tpu.memref_slice %arg6[%add3A_253, %dma_wait3A_261] : memref<20x128xi32, #tpu.memory_space<vmem>> -> memref<1x128xi32, #tpu.memory_space<vmem>>
            %dma_wait3A_263 = tpu.memref_squeeze %dma_wait3A_262 : memref<1x128xi32, #tpu.memory_space<vmem>> -> memref<128xi32, #tpu.memory_space<vmem>>
            %dma_wait3A_264 = arith.constant 0 : i32
            %dma_wait3A_265 = arith.constant 0 : i32
            %dma_wait3A_266 = tpu.memref_slice %arg11[%dma_wait3A_264, %dma_wait3A_265] : memref<10112x128xf32, #tpu.memory_space<vmem_shared>> -> memref<10112x128xf32, #tpu.memory_space<vmem_shared>>
            tpu.wait_indirect_dma semaphore(%run_scoped3A_254 : memref<!tpu.dma_semaphore, #tpu.memory_space<semaphore_mem>>) src(%arg10 : memref<128x128xf32, #tpu.memory_space<vmem>>) dst(%dma_wait3A_266 : memref<10112x128xf32, #tpu.memory_space<vmem_shared>>)
            tpu.yield
          }) : () -> ()
        }
        %scan3A_193 = arith.constant 9 : i32
        %dma_start3A_194 = arith.constant 19 : i32
        %dma_start3A_195 = arith.constant 0 : i32
        %dma_start3A_196 = tpu.memref_slice %arg5[%dma_start3A_194, %dma_start3A_195] : memref<20x128xi32, #tpu.memory_space<vmem>> -> memref<1x128xi32, #tpu.memory_space<vmem>>
        %dma_start3A_197 = tpu.memref_squeeze %dma_start3A_196 : memref<1x128xi32, #tpu.memory_space<vmem>> -> memref<128xi32, #tpu.memory_space<vmem>>
        %dma_start3A_198 = arith.constant 0 : i32
        %dma_start3A_199 = arith.constant 0 : i32
        %dma_start3A_200 = tpu.memref_slice %arg2[%dma_start3A_198, %dma_start3A_199] : memref<10000x128xf32, #tpu.memory_space<hbm>> -> memref<10000x128xf32, #tpu.memory_space<hbm>>
        tpu.enqueue_indirect_dma source(%dma_start3A_200 : memref<10000x128xf32, #tpu.memory_space<hbm>>) target(%arg10 : memref<128x128xf32, #tpu.memory_space<vmem>>) offsets(%dma_start3A_197 : memref<128xi32, #tpu.memory_space<vmem>>) semaphore(%arg13 : memref<!tpu.dma_semaphore, #tpu.memory_space<semaphore_mem>>)
        %dma_wait3A_201 = arith.constant 0 : i32
        %dma_wait3A_202 = arith.constant 0 : i32
        %dma_wait3A_203 = tpu.memref_slice %arg5[%dma_wait3A_201, %dma_wait3A_202] : memref<20x128xi32, #tpu.memory_space<vmem>> -> memref<1x128xi32, #tpu.memory_space<vmem>>
        %dma_wait3A_204 = tpu.memref_squeeze %dma_wait3A_203 : memref<1x128xi32, #tpu.memory_space<vmem>> -> memref<128xi32, #tpu.memory_space<vmem>>
        %dma_wait3A_205 = arith.constant 0 : i32
        %dma_wait3A_206 = arith.constant 0 : i32
        %dma_wait3A_207 = tpu.memref_slice %arg2[%dma_wait3A_205, %dma_wait3A_206] : memref<10000x128xf32, #tpu.memory_space<hbm>> -> memref<10000x128xf32, #tpu.memory_space<hbm>>
        tpu.wait_indirect_dma semaphore(%arg12 : memref<!tpu.dma_semaphore, #tpu.memory_space<semaphore_mem>>) src(%dma_wait3A_207 : memref<10000x128xf32, #tpu.memory_space<hbm>>) dst(%arg9 : memref<128x128xf32, #tpu.memory_space<vmem>>)
        %run_scoped3A = arith.constant 18 : i32
        "tpu.region"() ({
          %run_scoped3A_219 = tpu.sem_alloc : memref<!tpu.dma_semaphore, #tpu.memory_space<semaphore_mem>>
          %dma_start3A_220 = arith.constant 0 : i32
          %dma_start3A_221 = tpu.memref_slice %arg6[%run_scoped3A, %dma_start3A_220] : memref<20x128xi32, #tpu.memory_space<vmem>> -> memref<1x128xi32, #tpu.memory_space<vmem>>
          %dma_start3A_222 = tpu.memref_squeeze %dma_start3A_221 : memref<1x128xi32, #tpu.memory_space<vmem>> -> memref<128xi32, #tpu.memory_space<vmem>>
          %dma_start3A_223 = arith.constant 0 : i32
          %dma_start3A_224 = arith.constant 0 : i32
          %dma_start3A_225 = tpu.memref_slice %arg11[%dma_start3A_223, %dma_start3A_224] : memref<10112x128xf32, #tpu.memory_space<vmem_shared>> -> memref<10112x128xf32, #tpu.memory_space<vmem_shared>>
          tpu.enqueue_indirect_dma source(%arg9 : memref<128x128xf32, #tpu.memory_space<vmem>>) target(%dma_start3A_225 : memref<10112x128xf32, #tpu.memory_space<vmem_shared>>) offsets(%dma_start3A_222 : memref<128xi32, #tpu.memory_space<vmem>>) semaphore(%run_scoped3A_219 : memref<!tpu.dma_semaphore, #tpu.memory_space<semaphore_mem>>) {add = true}
          %dma_wait3A_226 = arith.constant 0 : i32
          %dma_wait3A_227 = tpu.memref_slice %arg6[%run_scoped3A, %dma_wait3A_226] : memref<20x128xi32, #tpu.memory_space<vmem>> -> memref<1x128xi32, #tpu.memory_space<vmem>>
          %dma_wait3A_228 = tpu.memref_squeeze %dma_wait3A_227 : memref<1x128xi32, #tpu.memory_space<vmem>> -> memref<128xi32, #tpu.memory_space<vmem>>
          %dma_wait3A_229 = arith.constant 0 : i32
          %dma_wait3A_230 = arith.constant 0 : i32
          %dma_wait3A_231 = tpu.memref_slice %arg11[%dma_wait3A_229, %dma_wait3A_230] : memref<10112x128xf32, #tpu.memory_space<vmem_shared>> -> memref<10112x128xf32, #tpu.memory_space<vmem_shared>>
          tpu.wait_indirect_dma semaphore(%run_scoped3A_219 : memref<!tpu.dma_semaphore, #tpu.memory_space<semaphore_mem>>) src(%arg9 : memref<128x128xf32, #tpu.memory_space<vmem>>) dst(%dma_wait3A_231 : memref<10112x128xf32, #tpu.memory_space<vmem_shared>>)
          tpu.yield
        }) : () -> ()
        %convert_element_type3A_208 = arith.extui %lt3A_187 : i1 to i32
        %cond3A_209 = arith.constant 0 : i32
        %cond3A_210 = arith.cmpi ne, %convert_element_type3A_208, %cond3A_209 : i32
        scf.if %cond3A_210 {
          %dma_wait3A_219 = arith.constant 0 : i32
          %dma_wait3A_220 = arith.constant 0 : i32
          %dma_wait3A_221 = arith.constant 0 : i32
          %dma_wait3A_222 = arith.constant 0 : i32
          %dma_wait3A_223 = tpu.memref_slice %arg3[%dma_wait3A_219, %dma_wait3A_220, %dma_wait3A_221, %dma_wait3A_222] : memref<2x125x20x128xi32, #tpu.memory_space<hbm>> -> memref<1x1x20x128xi32, #tpu.memory_space<hbm>>
          %dma_wait3A_224 = tpu.memref_squeeze %dma_wait3A_223 : memref<1x1x20x128xi32, #tpu.memory_space<hbm>> -> memref<20x128xi32, #tpu.memory_space<hbm>>
          %dma_wait3A_225 = arith.constant 0 : i32
          %dma_wait3A_226 = arith.constant 0 : i32
          %dma_wait3A_227 = tpu.memref_slice %arg3[%dma_wait3A_219, %dma_wait3A_220, %dma_wait3A_225, %dma_wait3A_226] : memref<2x125x20x128xi32, #tpu.memory_space<hbm>> -> memref<1x1x20x128xi32, #tpu.memory_space<hbm>>
          %dma_wait3A_228 = tpu.memref_squeeze %dma_wait3A_227 : memref<1x1x20x128xi32, #tpu.memory_space<hbm>> -> memref<20x128xi32, #tpu.memory_space<hbm>>
          tpu.wait_dma2 semaphore(%arg15 : memref<!tpu.dma_semaphore, #tpu.memory_space<semaphore_mem>>) src(%dma_wait3A_228 : memref<20x128xi32, #tpu.memory_space<hbm>>) dst(%arg7 : memref<20x128xi32, #tpu.memory_space<vmem>>)
          %dma_wait3A_229 = arith.constant 1 : i32
          %dma_wait3A_230 = arith.constant 0 : i32
          %dma_wait3A_231 = arith.constant 0 : i32
          %dma_wait3A_232 = arith.constant 0 : i32
          %dma_wait3A_233 = tpu.memref_slice %arg3[%dma_wait3A_229, %dma_wait3A_230, %dma_wait3A_231, %dma_wait3A_232] : memref<2x125x20x128xi32, #tpu.memory_space<hbm>> -> memref<1x1x20x128xi32, #tpu.memory_space<hbm>>
          %dma_wait3A_234 = tpu.memref_squeeze %dma_wait3A_233 : memref<1x1x20x128xi32, #tpu.memory_space<hbm>> -> memref<20x128xi32, #tpu.memory_space<hbm>>
          %dma_wait3A_235 = arith.constant 0 : i32
          %dma_wait3A_236 = arith.constant 0 : i32
          %dma_wait3A_237 = tpu.memref_slice %arg3[%dma_wait3A_229, %dma_wait3A_230, %dma_wait3A_235, %dma_wait3A_236] : memref<2x125x20x128xi32, #tpu.memory_space<hbm>> -> memref<1x1x20x128xi32, #tpu.memory_space<hbm>>
          %dma_wait3A_238 = tpu.memref_squeeze %dma_wait3A_237 : memref<1x1x20x128xi32, #tpu.memory_space<hbm>> -> memref<20x128xi32, #tpu.memory_space<hbm>>
          tpu.wait_dma2 semaphore(%arg15 : memref<!tpu.dma_semaphore, #tpu.memory_space<semaphore_mem>>) src(%dma_wait3A_238 : memref<20x128xi32, #tpu.memory_space<hbm>>) dst(%arg8 : memref<20x128xi32, #tpu.memory_space<vmem>>)
          %dma_start3A_239 = arith.constant 0 : i32
          %dma_start3A_240 = arith.constant 0 : i32
          %dma_start3A_241 = tpu.memref_slice %arg7[%dma_start3A_239, %dma_start3A_240] : memref<20x128xi32, #tpu.memory_space<vmem>> -> memref<1x128xi32, #tpu.memory_space<vmem>>
          %dma_start3A_242 = tpu.memref_squeeze %dma_start3A_241 : memref<1x128xi32, #tpu.memory_space<vmem>> -> memref<128xi32, #tpu.memory_space<vmem>>
          %dma_start3A_243 = arith.constant 0 : i32
          %dma_start3A_244 = arith.constant 0 : i32
          %dma_start3A_245 = tpu.memref_slice %arg2[%dma_start3A_243, %dma_start3A_244] : memref<10000x128xf32, #tpu.memory_space<hbm>> -> memref<10000x128xf32, #tpu.memory_space<hbm>>
          tpu.enqueue_indirect_dma source(%dma_start3A_245 : memref<10000x128xf32, #tpu.memory_space<hbm>>) target(%arg9 : memref<128x128xf32, #tpu.memory_space<vmem>>) offsets(%dma_start3A_242 : memref<128xi32, #tpu.memory_space<vmem>>) semaphore(%arg12 : memref<!tpu.dma_semaphore, #tpu.memory_space<semaphore_mem>>)
        } else {
        }
        %dma_wait3A_211 = arith.constant 0 : i32
        %dma_wait3A_212 = arith.constant 0 : i32
        %dma_wait3A_213 = tpu.memref_slice %arg5[%dma_wait3A_211, %dma_wait3A_212] : memref<20x128xi32, #tpu.memory_space<vmem>> -> memref<1x128xi32, #tpu.memory_space<vmem>>
        %dma_wait3A_214 = tpu.memref_squeeze %dma_wait3A_213 : memref<1x128xi32, #tpu.memory_space<vmem>> -> memref<128xi32, #tpu.memory_space<vmem>>
        %dma_wait3A_215 = arith.constant 0 : i32
        %dma_wait3A_216 = arith.constant 0 : i32
        %dma_wait3A_217 = tpu.memref_slice %arg2[%dma_wait3A_215, %dma_wait3A_216] : memref<10000x128xf32, #tpu.memory_space<hbm>> -> memref<10000x128xf32, #tpu.memory_space<hbm>>
        tpu.wait_indirect_dma semaphore(%arg13 : memref<!tpu.dma_semaphore, #tpu.memory_space<semaphore_mem>>) src(%dma_wait3A_217 : memref<10000x128xf32, #tpu.memory_space<hbm>>) dst(%arg10 : memref<128x128xf32, #tpu.memory_space<vmem>>)
        %run_scoped3A_218 = arith.constant 19 : i32
        "tpu.region"() ({
          %run_scoped3A_219 = tpu.sem_alloc : memref<!tpu.dma_semaphore, #tpu.memory_space<semaphore_mem>>
          %dma_start3A_220 = arith.constant 0 : i32
          %dma_start3A_221 = tpu.memref_slice %arg6[%run_scoped3A_218, %dma_start3A_220] : memref<20x128xi32, #tpu.memory_space<vmem>> -> memref<1x128xi32, #tpu.memory_space<vmem>>
          %dma_start3A_222 = tpu.memref_squeeze %dma_start3A_221 : memref<1x128xi32, #tpu.memory_space<vmem>> -> memref<128xi32, #tpu.memory_space<vmem>>
          %dma_start3A_223 = arith.constant 0 : i32
          %dma_start3A_224 = arith.constant 0 : i32
          %dma_start3A_225 = tpu.memref_slice %arg11[%dma_start3A_223, %dma_start3A_224] : memref<10112x128xf32, #tpu.memory_space<vmem_shared>> -> memref<10112x128xf32, #tpu.memory_space<vmem_shared>>
          tpu.enqueue_indirect_dma source(%arg10 : memref<128x128xf32, #tpu.memory_space<vmem>>) target(%dma_start3A_225 : memref<10112x128xf32, #tpu.memory_space<vmem_shared>>) offsets(%dma_start3A_222 : memref<128xi32, #tpu.memory_space<vmem>>) semaphore(%run_scoped3A_219 : memref<!tpu.dma_semaphore, #tpu.memory_space<semaphore_mem>>) {add = true}
          %dma_wait3A_226 = arith.constant 0 : i32
          %dma_wait3A_227 = tpu.memref_slice %arg6[%run_scoped3A_218, %dma_wait3A_226] : memref<20x128xi32, #tpu.memory_space<vmem>> -> memref<1x128xi32, #tpu.memory_space<vmem>>
          %dma_wait3A_228 = tpu.memref_squeeze %dma_wait3A_227 : memref<1x128xi32, #tpu.memory_space<vmem>> -> memref<128xi32, #tpu.memory_space<vmem>>
          %dma_wait3A_229 = arith.constant 0 : i32
          %dma_wait3A_230 = arith.constant 0 : i32
          %dma_wait3A_231 = tpu.memref_slice %arg11[%dma_wait3A_229, %dma_wait3A_230] : memref<10112x128xf32, #tpu.memory_space<vmem_shared>> -> memref<10112x128xf32, #tpu.memory_space<vmem_shared>>
          tpu.wait_indirect_dma semaphore(%run_scoped3A_219 : memref<!tpu.dma_semaphore, #tpu.memory_space<semaphore_mem>>) src(%arg10 : memref<128x128xf32, #tpu.memory_space<vmem>>) dst(%dma_wait3A_231 : memref<10112x128xf32, #tpu.memory_space<vmem_shared>>)
          tpu.yield
        }) : () -> ()
      } else {
      }
      %add3A_154 = arith.constant 2 : i32
      %add3A_155 = arith.addi %mul3A_147, %add3A_154 : i32
      %lt3A_156 = arith.constant 4 : i32
      %lt3A_157 = arith.cmpi slt, %add3A_155, %lt3A_156 : i32
      %add3A_158 = arith.constant 2 : i32
      %add3A_159 = arith.addi %add3A_148, %add3A_158 : i32
      %lt3A_160 = arith.constant 125 : i32
      %lt3A_161 = arith.cmpi slt, %add3A_159, %lt3A_160 : i32
      %and3A = arith.andi %lt3A_157, %lt3A_161 : i1
      %convert_element_type3A_162 = arith.extui %and3A : i1 to i32
      %cond3A_163 = arith.constant 0 : i32
      %cond3A_164 = arith.cmpi ne, %convert_element_type3A_162, %cond3A_163 : i32
      scf.if %cond3A_164 {
        %add3A_184 = arith.constant 2 : i32
        %add3A_185 = arith.addi %add3A_148, %add3A_184 : i32
        %dma_start3A_186 = arith.constant 0 : i32
        %dma_start3A_187 = arith.constant 0 : i32
        %dma_start3A_188 = arith.constant 0 : i32
        %dma_start3A_189 = tpu.memref_slice %arg3[%dma_start3A_186, %add3A_185, %dma_start3A_187, %dma_start3A_188] : memref<2x125x20x128xi32, #tpu.memory_space<hbm>> -> memref<1x1x20x128xi32, #tpu.memory_space<hbm>>
        %dma_start3A_190 = tpu.memref_squeeze %dma_start3A_189 : memref<1x1x20x128xi32, #tpu.memory_space<hbm>> -> memref<20x128xi32, #tpu.memory_space<hbm>>
        %dma_start3A_191 = arith.constant 0 : i32
        %dma_start3A_192 = arith.constant 0 : i32
        %dma_start3A_193 = tpu.memref_slice %arg3[%dma_start3A_186, %add3A_185, %dma_start3A_191, %dma_start3A_192] : memref<2x125x20x128xi32, #tpu.memory_space<hbm>> -> memref<1x1x20x128xi32, #tpu.memory_space<hbm>>
        %dma_start3A_194 = tpu.memref_squeeze %dma_start3A_193 : memref<1x1x20x128xi32, #tpu.memory_space<hbm>> -> memref<20x128xi32, #tpu.memory_space<hbm>>
        tpu.enqueue_dma source(%dma_start3A_194 : memref<20x128xi32, #tpu.memory_space<hbm>>) target(%arg5 : memref<20x128xi32, #tpu.memory_space<vmem>>) target_semaphore(%arg14 : memref<!tpu.dma_semaphore, #tpu.memory_space<semaphore_mem>>)
        %dma_start3A_195 = arith.constant 1 : i32
        %dma_start3A_196 = arith.constant 0 : i32
        %dma_start3A_197 = arith.constant 0 : i32
        %dma_start3A_198 = tpu.memref_slice %arg3[%dma_start3A_195, %add3A_185, %dma_start3A_196, %dma_start3A_197] : memref<2x125x20x128xi32, #tpu.memory_space<hbm>> -> memref<1x1x20x128xi32, #tpu.memory_space<hbm>>
        %dma_start3A_199 = tpu.memref_squeeze %dma_start3A_198 : memref<1x1x20x128xi32, #tpu.memory_space<hbm>> -> memref<20x128xi32, #tpu.memory_space<hbm>>
        %dma_start3A_200 = arith.constant 0 : i32
        %dma_start3A_201 = arith.constant 0 : i32
        %dma_start3A_202 = tpu.memref_slice %arg3[%dma_start3A_195, %add3A_185, %dma_start3A_200, %dma_start3A_201] : memref<2x125x20x128xi32, #tpu.memory_space<hbm>> -> memref<1x1x20x128xi32, #tpu.memory_space<hbm>>
        %dma_start3A_203 = tpu.memref_squeeze %dma_start3A_202 : memref<1x1x20x128xi32, #tpu.memory_space<hbm>> -> memref<20x128xi32, #tpu.memory_space<hbm>>
        tpu.enqueue_dma source(%dma_start3A_203 : memref<20x128xi32, #tpu.memory_space<hbm>>) target(%arg6 : memref<20x128xi32, #tpu.memory_space<vmem>>) target_semaphore(%arg14 : memref<!tpu.dma_semaphore, #tpu.memory_space<semaphore_mem>>)
      } else {
      }
      %add3A_165 = arith.constant 1 : i32
      %add3A_166 = arith.addi %add3A_148, %add3A_165 : i32
      %lt3A_167 = arith.constant 125 : i32
      %lt3A_168 = arith.cmpi slt, %add3A_166, %lt3A_167 : i32
      %convert_element_type3A_169 = arith.extui %lt3A_168 : i1 to i32
      %cond3A_170 = arith.constant 0 : i32
      %cond3A_171 = arith.cmpi ne, %convert_element_type3A_169, %cond3A_170 : i32
      scf.if %cond3A_171 {
        %add3A_184 = arith.constant 2 : i32
        %add3A_185 = arith.addi %mul3A_147, %add3A_184 : i32
        %lt3A_186 = arith.constant 4 : i32
        %lt3A_187 = arith.cmpi slt, %add3A_185, %lt3A_186 : i32
        %add3A_188 = arith.constant 2 : i32
        %add3A_189 = arith.addi %add3A_148, %add3A_188 : i32
        %lt3A_190 = arith.constant 125 : i32
        %lt3A_191 = arith.cmpi slt, %add3A_189, %lt3A_190 : i32
        %and3A_192 = arith.andi %lt3A_187, %lt3A_191 : i1
        %scan3A_193 = arith.constant 0 : i32
        %scan3A_194 = arith.constant 0 : i32
        %scan3A_195 = arith.constant 9 : i32
        %scan3A_196 = arith.addi %scan3A_194, %scan3A_195 : i32
        %scan3A_197 = arith.constant 1 : i32
        scf.for %scan3A_224 = %scan3A_194 to %scan3A_196 step %scan3A_197  : i32 {
          %mul3A_225 = arith.constant 2 : i32
          %mul3A_226 = arith.muli %mul3A_225, %scan3A_224 : i32
          %add3A_227 = arith.constant 1 : i32
          %add3A_228 = arith.addi %mul3A_226, %add3A_227 : i32
          %dma_start3A_229 = arith.constant 0 : i32
          %dma_start3A_230 = tpu.memref_slice %arg7[%add3A_228, %dma_start3A_229] : memref<20x128xi32, #tpu.memory_space<vmem>> -> memref<1x128xi32, #tpu.memory_space<vmem>>
          %dma_start3A_231 = tpu.memref_squeeze %dma_start3A_230 : memref<1x128xi32, #tpu.memory_space<vmem>> -> memref<128xi32, #tpu.memory_space<vmem>>
          %dma_start3A_232 = arith.constant 0 : i32
          %dma_start3A_233 = arith.constant 0 : i32
          %dma_start3A_234 = tpu.memref_slice %arg2[%dma_start3A_232, %dma_start3A_233] : memref<10000x128xf32, #tpu.memory_space<hbm>> -> memref<10000x128xf32, #tpu.memory_space<hbm>>
          tpu.enqueue_indirect_dma source(%dma_start3A_234 : memref<10000x128xf32, #tpu.memory_space<hbm>>) target(%arg10 : memref<128x128xf32, #tpu.memory_space<vmem>>) offsets(%dma_start3A_231 : memref<128xi32, #tpu.memory_space<vmem>>) semaphore(%arg13 : memref<!tpu.dma_semaphore, #tpu.memory_space<semaphore_mem>>)
          %dma_wait3A_235 = arith.constant 0 : i32
          %dma_wait3A_236 = arith.constant 0 : i32
          %dma_wait3A_237 = tpu.memref_slice %arg7[%dma_wait3A_235, %dma_wait3A_236] : memref<20x128xi32, #tpu.memory_space<vmem>> -> memref<1x128xi32, #tpu.memory_space<vmem>>
          %dma_wait3A_238 = tpu.memref_squeeze %dma_wait3A_237 : memref<1x128xi32, #tpu.memory_space<vmem>> -> memref<128xi32, #tpu.memory_space<vmem>>
          %dma_wait3A_239 = arith.constant 0 : i32
          %dma_wait3A_240 = arith.constant 0 : i32
          %dma_wait3A_241 = tpu.memref_slice %arg2[%dma_wait3A_239, %dma_wait3A_240] : memref<10000x128xf32, #tpu.memory_space<hbm>> -> memref<10000x128xf32, #tpu.memory_space<hbm>>
          tpu.wait_indirect_dma semaphore(%arg12 : memref<!tpu.dma_semaphore, #tpu.memory_space<semaphore_mem>>) src(%dma_wait3A_241 : memref<10000x128xf32, #tpu.memory_space<hbm>>) dst(%arg9 : memref<128x128xf32, #tpu.memory_space<vmem>>)
          "tpu.region"() ({
            %run_scoped3A_259 = tpu.sem_alloc : memref<!tpu.dma_semaphore, #tpu.memory_space<semaphore_mem>>
            %dma_start3A_260 = arith.constant 0 : i32
            %dma_start3A_261 = tpu.memref_slice %arg8[%mul3A_226, %dma_start3A_260] : memref<20x128xi32, #tpu.memory_space<vmem>> -> memref<1x128xi32, #tpu.memory_space<vmem>>
            %dma_start3A_262 = tpu.memref_squeeze %dma_start3A_261 : memref<1x128xi32, #tpu.memory_space<vmem>> -> memref<128xi32, #tpu.memory_space<vmem>>
            %dma_start3A_263 = arith.constant 0 : i32
            %dma_start3A_264 = arith.constant 0 : i32
            %dma_start3A_265 = tpu.memref_slice %arg11[%dma_start3A_263, %dma_start3A_264] : memref<10112x128xf32, #tpu.memory_space<vmem_shared>> -> memref<10112x128xf32, #tpu.memory_space<vmem_shared>>
            tpu.enqueue_indirect_dma source(%arg9 : memref<128x128xf32, #tpu.memory_space<vmem>>) target(%dma_start3A_265 : memref<10112x128xf32, #tpu.memory_space<vmem_shared>>) offsets(%dma_start3A_262 : memref<128xi32, #tpu.memory_space<vmem>>) semaphore(%run_scoped3A_259 : memref<!tpu.dma_semaphore, #tpu.memory_space<semaphore_mem>>) {add = true}
            %dma_wait3A_266 = arith.constant 0 : i32
            %dma_wait3A_267 = tpu.memref_slice %arg8[%mul3A_226, %dma_wait3A_266] : memref<20x128xi32, #tpu.memory_space<vmem>> -> memref<1x128xi32, #tpu.memory_space<vmem>>
            %dma_wait3A_268 = tpu.memref_squeeze %dma_wait3A_267 : memref<1x128xi32, #tpu.memory_space<vmem>> -> memref<128xi32, #tpu.memory_space<vmem>>
            %dma_wait3A_269 = arith.constant 0 : i32
            %dma_wait3A_270 = arith.constant 0 : i32
            %dma_wait3A_271 = tpu.memref_slice %arg11[%dma_wait3A_269, %dma_wait3A_270] : memref<10112x128xf32, #tpu.memory_space<vmem_shared>> -> memref<10112x128xf32, #tpu.memory_space<vmem_shared>>
            tpu.wait_indirect_dma semaphore(%run_scoped3A_259 : memref<!tpu.dma_semaphore, #tpu.memory_space<semaphore_mem>>) src(%arg9 : memref<128x128xf32, #tpu.memory_space<vmem>>) dst(%dma_wait3A_271 : memref<10112x128xf32, #tpu.memory_space<vmem_shared>>)
            tpu.yield
          }) : () -> ()
          %add3A_242 = arith.constant 2 : i32
          %add3A_243 = arith.addi %mul3A_226, %add3A_242 : i32
          %dma_start3A_244 = arith.constant 0 : i32
          %dma_start3A_245 = tpu.memref_slice %arg7[%add3A_243, %dma_start3A_244] : memref<20x128xi32, #tpu.memory_space<vmem>> -> memref<1x128xi32, #tpu.memory_space<vmem>>
          %dma_start3A_246 = tpu.memref_squeeze %dma_start3A_245 : memref<1x128xi32, #tpu.memory_space<vmem>> -> memref<128xi32, #tpu.memory_space<vmem>>
          %dma_start3A_247 = arith.constant 0 : i32
          %dma_start3A_248 = arith.constant 0 : i32
          %dma_start3A_249 = tpu.memref_slice %arg2[%dma_start3A_247, %dma_start3A_248] : memref<10000x128xf32, #tpu.memory_space<hbm>> -> memref<10000x128xf32, #tpu.memory_space<hbm>>
          tpu.enqueue_indirect_dma source(%dma_start3A_249 : memref<10000x128xf32, #tpu.memory_space<hbm>>) target(%arg9 : memref<128x128xf32, #tpu.memory_space<vmem>>) offsets(%dma_start3A_246 : memref<128xi32, #tpu.memory_space<vmem>>) semaphore(%arg12 : memref<!tpu.dma_semaphore, #tpu.memory_space<semaphore_mem>>)
          %dma_wait3A_250 = arith.constant 0 : i32
          %dma_wait3A_251 = arith.constant 0 : i32
          %dma_wait3A_252 = tpu.memref_slice %arg7[%dma_wait3A_250, %dma_wait3A_251] : memref<20x128xi32, #tpu.memory_space<vmem>> -> memref<1x128xi32, #tpu.memory_space<vmem>>
          %dma_wait3A_253 = tpu.memref_squeeze %dma_wait3A_252 : memref<1x128xi32, #tpu.memory_space<vmem>> -> memref<128xi32, #tpu.memory_space<vmem>>
          %dma_wait3A_254 = arith.constant 0 : i32
          %dma_wait3A_255 = arith.constant 0 : i32
          %dma_wait3A_256 = tpu.memref_slice %arg2[%dma_wait3A_254, %dma_wait3A_255] : memref<10000x128xf32, #tpu.memory_space<hbm>> -> memref<10000x128xf32, #tpu.memory_space<hbm>>
          tpu.wait_indirect_dma semaphore(%arg13 : memref<!tpu.dma_semaphore, #tpu.memory_space<semaphore_mem>>) src(%dma_wait3A_256 : memref<10000x128xf32, #tpu.memory_space<hbm>>) dst(%arg10 : memref<128x128xf32, #tpu.memory_space<vmem>>)
          %add3A_257 = arith.constant 1 : i32
          %add3A_258 = arith.addi %mul3A_226, %add3A_257 : i32
          "tpu.region"() ({
            %run_scoped3A_259 = tpu.sem_alloc : memref<!tpu.dma_semaphore, #tpu.memory_space<semaphore_mem>>
            %dma_start3A_260 = arith.constant 0 : i32
            %dma_start3A_261 = tpu.memref_slice %arg8[%add3A_258, %dma_start3A_260] : memref<20x128xi32, #tpu.memory_space<vmem>> -> memref<1x128xi32, #tpu.memory_space<vmem>>
            %dma_start3A_262 = tpu.memref_squeeze %dma_start3A_261 : memref<1x128xi32, #tpu.memory_space<vmem>> -> memref<128xi32, #tpu.memory_space<vmem>>
            %dma_start3A_263 = arith.constant 0 : i32
            %dma_start3A_264 = arith.constant 0 : i32
            %dma_start3A_265 = tpu.memref_slice %arg11[%dma_start3A_263, %dma_start3A_264] : memref<10112x128xf32, #tpu.memory_space<vmem_shared>> -> memref<10112x128xf32, #tpu.memory_space<vmem_shared>>
            tpu.enqueue_indirect_dma source(%arg10 : memref<128x128xf32, #tpu.memory_space<vmem>>) target(%dma_start3A_265 : memref<10112x128xf32, #tpu.memory_space<vmem_shared>>) offsets(%dma_start3A_262 : memref<128xi32, #tpu.memory_space<vmem>>) semaphore(%run_scoped3A_259 : memref<!tpu.dma_semaphore, #tpu.memory_space<semaphore_mem>>) {add = true}
            %dma_wait3A_266 = arith.constant 0 : i32
            %dma_wait3A_267 = tpu.memref_slice %arg8[%add3A_258, %dma_wait3A_266] : memref<20x128xi32, #tpu.memory_space<vmem>> -> memref<1x128xi32, #tpu.memory_space<vmem>>
            %dma_wait3A_268 = tpu.memref_squeeze %dma_wait3A_267 : memref<1x128xi32, #tpu.memory_space<vmem>> -> memref<128xi32, #tpu.memory_space<vmem>>
            %dma_wait3A_269 = arith.constant 0 : i32
            %dma_wait3A_270 = arith.constant 0 : i32
            %dma_wait3A_271 = tpu.memref_slice %arg11[%dma_wait3A_269, %dma_wait3A_270] : memref<10112x128xf32, #tpu.memory_space<vmem_shared>> -> memref<10112x128xf32, #tpu.memory_space<vmem_shared>>
            tpu.wait_indirect_dma semaphore(%run_scoped3A_259 : memref<!tpu.dma_semaphore, #tpu.memory_space<semaphore_mem>>) src(%arg10 : memref<128x128xf32, #tpu.memory_space<vmem>>) dst(%dma_wait3A_271 : memref<10112x128xf32, #tpu.memory_space<vmem_shared>>)
            tpu.yield
          }) : () -> ()
        }
        %scan3A_198 = arith.constant 9 : i32
        %dma_start3A_199 = arith.constant 19 : i32
        %dma_start3A_200 = arith.constant 0 : i32
        %dma_start3A_201 = tpu.memref_slice %arg7[%dma_start3A_199, %dma_start3A_200] : memref<20x128xi32, #tpu.memory_space<vmem>> -> memref<1x128xi32, #tpu.memory_space<vmem>>
        %dma_start3A_202 = tpu.memref_squeeze %dma_start3A_201 : memref<1x128xi32, #tpu.memory_space<vmem>> -> memref<128xi32, #tpu.memory_space<vmem>>
        %dma_start3A_203 = arith.constant 0 : i32
        %dma_start3A_204 = arith.constant 0 : i32
        %dma_start3A_205 = tpu.memref_slice %arg2[%dma_start3A_203, %dma_start3A_204] : memref<10000x128xf32, #tpu.memory_space<hbm>> -> memref<10000x128xf32, #tpu.memory_space<hbm>>
        tpu.enqueue_indirect_dma source(%dma_start3A_205 : memref<10000x128xf32, #tpu.memory_space<hbm>>) target(%arg10 : memref<128x128xf32, #tpu.memory_space<vmem>>) offsets(%dma_start3A_202 : memref<128xi32, #tpu.memory_space<vmem>>) semaphore(%arg13 : memref<!tpu.dma_semaphore, #tpu.memory_space<semaphore_mem>>)
        %dma_wait3A_206 = arith.constant 0 : i32
        %dma_wait3A_207 = arith.constant 0 : i32
        %dma_wait3A_208 = tpu.memref_slice %arg7[%dma_wait3A_206, %dma_wait3A_207] : memref<20x128xi32, #tpu.memory_space<vmem>> -> memref<1x128xi32, #tpu.memory_space<vmem>>
        %dma_wait3A_209 = tpu.memref_squeeze %dma_wait3A_208 : memref<1x128xi32, #tpu.memory_space<vmem>> -> memref<128xi32, #tpu.memory_space<vmem>>
        %dma_wait3A_210 = arith.constant 0 : i32
        %dma_wait3A_211 = arith.constant 0 : i32
        %dma_wait3A_212 = tpu.memref_slice %arg2[%dma_wait3A_210, %dma_wait3A_211] : memref<10000x128xf32, #tpu.memory_space<hbm>> -> memref<10000x128xf32, #tpu.memory_space<hbm>>
        tpu.wait_indirect_dma semaphore(%arg12 : memref<!tpu.dma_semaphore, #tpu.memory_space<semaphore_mem>>) src(%dma_wait3A_212 : memref<10000x128xf32, #tpu.memory_space<hbm>>) dst(%arg9 : memref<128x128xf32, #tpu.memory_space<vmem>>)
        %run_scoped3A = arith.constant 18 : i32
        "tpu.region"() ({
          %run_scoped3A_224 = tpu.sem_alloc : memref<!tpu.dma_semaphore, #tpu.memory_space<semaphore_mem>>
          %dma_start3A_225 = arith.constant 0 : i32
          %dma_start3A_226 = tpu.memref_slice %arg8[%run_scoped3A, %dma_start3A_225] : memref<20x128xi32, #tpu.memory_space<vmem>> -> memref<1x128xi32, #tpu.memory_space<vmem>>
          %dma_start3A_227 = tpu.memref_squeeze %dma_start3A_226 : memref<1x128xi32, #tpu.memory_space<vmem>> -> memref<128xi32, #tpu.memory_space<vmem>>
          %dma_start3A_228 = arith.constant 0 : i32
          %dma_start3A_229 = arith.constant 0 : i32
          %dma_start3A_230 = tpu.memref_slice %arg11[%dma_start3A_228, %dma_start3A_229] : memref<10112x128xf32, #tpu.memory_space<vmem_shared>> -> memref<10112x128xf32, #tpu.memory_space<vmem_shared>>
          tpu.enqueue_indirect_dma source(%arg9 : memref<128x128xf32, #tpu.memory_space<vmem>>) target(%dma_start3A_230 : memref<10112x128xf32, #tpu.memory_space<vmem_shared>>) offsets(%dma_start3A_227 : memref<128xi32, #tpu.memory_space<vmem>>) semaphore(%run_scoped3A_224 : memref<!tpu.dma_semaphore, #tpu.memory_space<semaphore_mem>>) {add = true}
          %dma_wait3A_231 = arith.constant 0 : i32
          %dma_wait3A_232 = tpu.memref_slice %arg8[%run_scoped3A, %dma_wait3A_231] : memref<20x128xi32, #tpu.memory_space<vmem>> -> memref<1x128xi32, #tpu.memory_space<vmem>>
          %dma_wait3A_233 = tpu.memref_squeeze %dma_wait3A_232 : memref<1x128xi32, #tpu.memory_space<vmem>> -> memref<128xi32, #tpu.memory_space<vmem>>
          %dma_wait3A_234 = arith.constant 0 : i32
          %dma_wait3A_235 = arith.constant 0 : i32
          %dma_wait3A_236 = tpu.memref_slice %arg11[%dma_wait3A_234, %dma_wait3A_235] : memref<10112x128xf32, #tpu.memory_space<vmem_shared>> -> memref<10112x128xf32, #tpu.memory_space<vmem_shared>>
          tpu.wait_indirect_dma semaphore(%run_scoped3A_224 : memref<!tpu.dma_semaphore, #tpu.memory_space<semaphore_mem>>) src(%arg9 : memref<128x128xf32, #tpu.memory_space<vmem>>) dst(%dma_wait3A_236 : memref<10112x128xf32, #tpu.memory_space<vmem_shared>>)
          tpu.yield
        }) : () -> ()
        %convert_element_type3A_213 = arith.extui %and3A_192 : i1 to i32
        %cond3A_214 = arith.constant 0 : i32
        %cond3A_215 = arith.cmpi ne, %convert_element_type3A_213, %cond3A_214 : i32
        scf.if %cond3A_215 {
          %dma_wait3A_224 = arith.constant 0 : i32
          %dma_wait3A_225 = arith.constant 0 : i32
          %dma_wait3A_226 = arith.constant 0 : i32
          %dma_wait3A_227 = arith.constant 0 : i32
          %dma_wait3A_228 = tpu.memref_slice %arg3[%dma_wait3A_224, %dma_wait3A_225, %dma_wait3A_226, %dma_wait3A_227] : memref<2x125x20x128xi32, #tpu.memory_space<hbm>> -> memref<1x1x20x128xi32, #tpu.memory_space<hbm>>
          %dma_wait3A_229 = tpu.memref_squeeze %dma_wait3A_228 : memref<1x1x20x128xi32, #tpu.memory_space<hbm>> -> memref<20x128xi32, #tpu.memory_space<hbm>>
          %dma_wait3A_230 = arith.constant 0 : i32
          %dma_wait3A_231 = arith.constant 0 : i32
          %dma_wait3A_232 = tpu.memref_slice %arg3[%dma_wait3A_224, %dma_wait3A_225, %dma_wait3A_230, %dma_wait3A_231] : memref<2x125x20x128xi32, #tpu.memory_space<hbm>> -> memref<1x1x20x128xi32, #tpu.memory_space<hbm>>
          %dma_wait3A_233 = tpu.memref_squeeze %dma_wait3A_232 : memref<1x1x20x128xi32, #tpu.memory_space<hbm>> -> memref<20x128xi32, #tpu.memory_space<hbm>>
          tpu.wait_dma2 semaphore(%arg14 : memref<!tpu.dma_semaphore, #tpu.memory_space<semaphore_mem>>) src(%dma_wait3A_233 : memref<20x128xi32, #tpu.memory_space<hbm>>) dst(%arg5 : memref<20x128xi32, #tpu.memory_space<vmem>>)
          %dma_wait3A_234 = arith.constant 1 : i32
          %dma_wait3A_235 = arith.constant 0 : i32
          %dma_wait3A_236 = arith.constant 0 : i32
          %dma_wait3A_237 = arith.constant 0 : i32
          %dma_wait3A_238 = tpu.memref_slice %arg3[%dma_wait3A_234, %dma_wait3A_235, %dma_wait3A_236, %dma_wait3A_237] : memref<2x125x20x128xi32, #tpu.memory_space<hbm>> -> memref<1x1x20x128xi32, #tpu.memory_space<hbm>>
          %dma_wait3A_239 = tpu.memref_squeeze %dma_wait3A_238 : memref<1x1x20x128xi32, #tpu.memory_space<hbm>> -> memref<20x128xi32, #tpu.memory_space<hbm>>
          %dma_wait3A_240 = arith.constant 0 : i32
          %dma_wait3A_241 = arith.constant 0 : i32
          %dma_wait3A_242 = tpu.memref_slice %arg3[%dma_wait3A_234, %dma_wait3A_235, %dma_wait3A_240, %dma_wait3A_241] : memref<2x125x20x128xi32, #tpu.memory_space<hbm>> -> memref<1x1x20x128xi32, #tpu.memory_space<hbm>>
          %dma_wait3A_243 = tpu.memref_squeeze %dma_wait3A_242 : memref<1x1x20x128xi32, #tpu.memory_space<hbm>> -> memref<20x128xi32, #tpu.memory_space<hbm>>
          tpu.wait_dma2 semaphore(%arg14 : memref<!tpu.dma_semaphore, #tpu.memory_space<semaphore_mem>>) src(%dma_wait3A_243 : memref<20x128xi32, #tpu.memory_space<hbm>>) dst(%arg6 : memref<20x128xi32, #tpu.memory_space<vmem>>)
          %dma_start3A_244 = arith.constant 0 : i32
          %dma_start3A_245 = arith.constant 0 : i32
          %dma_start3A_246 = tpu.memref_slice %arg5[%dma_start3A_244, %dma_start3A_245] : memref<20x128xi32, #tpu.memory_space<vmem>> -> memref<1x128xi32, #tpu.memory_space<vmem>>
          %dma_start3A_247 = tpu.memref_squeeze %dma_start3A_246 : memref<1x128xi32, #tpu.memory_space<vmem>> -> memref<128xi32, #tpu.memory_space<vmem>>
          %dma_start3A_248 = arith.constant 0 : i32
          %dma_start3A_249 = arith.constant 0 : i32
          %dma_start3A_250 = tpu.memref_slice %arg2[%dma_start3A_248, %dma_start3A_249] : memref<10000x128xf32, #tpu.memory_space<hbm>> -> memref<10000x128xf32, #tpu.memory_space<hbm>>
          tpu.enqueue_indirect_dma source(%dma_start3A_250 : memref<10000x128xf32, #tpu.memory_space<hbm>>) target(%arg9 : memref<128x128xf32, #tpu.memory_space<vmem>>) offsets(%dma_start3A_247 : memref<128xi32, #tpu.memory_space<vmem>>) semaphore(%arg12 : memref<!tpu.dma_semaphore, #tpu.memory_space<semaphore_mem>>)
        } else {
        }
        %dma_wait3A_216 = arith.constant 0 : i32
        %dma_wait3A_217 = arith.constant 0 : i32
        %dma_wait3A_218 = tpu.memref_slice %arg7[%dma_wait3A_216, %dma_wait3A_217] : memref<20x128xi32, #tpu.memory_space<vmem>> -> memref<1x128xi32, #tpu.memory_space<vmem>>
        %dma_wait3A_219 = tpu.memref_squeeze %dma_wait3A_218 : memref<1x128xi32, #tpu.memory_space<vmem>> -> memref<128xi32, #tpu.memory_space<vmem>>
        %dma_wait3A_220 = arith.constant 0 : i32
        %dma_wait3A_221 = arith.constant 0 : i32
        %dma_wait3A_222 = tpu.memref_slice %arg2[%dma_wait3A_220, %dma_wait3A_221] : memref<10000x128xf32, #tpu.memory_space<hbm>> -> memref<10000x128xf32, #tpu.memory_space<hbm>>
        tpu.wait_indirect_dma semaphore(%arg13 : memref<!tpu.dma_semaphore, #tpu.memory_space<semaphore_mem>>) src(%dma_wait3A_222 : memref<10000x128xf32, #tpu.memory_space<hbm>>) dst(%arg10 : memref<128x128xf32, #tpu.memory_space<vmem>>)
        %run_scoped3A_223 = arith.constant 19 : i32
        "tpu.region"() ({
          %run_scoped3A_224 = tpu.sem_alloc : memref<!tpu.dma_semaphore, #tpu.memory_space<semaphore_mem>>
          %dma_start3A_225 = arith.constant 0 : i32
          %dma_start3A_226 = tpu.memref_slice %arg8[%run_scoped3A_223, %dma_start3A_225] : memref<20x128xi32, #tpu.memory_space<vmem>> -> memref<1x128xi32, #tpu.memory_space<vmem>>
          %dma_start3A_227 = tpu.memref_squeeze %dma_start3A_226 : memref<1x128xi32, #tpu.memory_space<vmem>> -> memref<128xi32, #tpu.memory_space<vmem>>
          %dma_start3A_228 = arith.constant 0 : i32
          %dma_start3A_229 = arith.constant 0 : i32
          %dma_start3A_230 = tpu.memref_slice %arg11[%dma_start3A_228, %dma_start3A_229] : memref<10112x128xf32, #tpu.memory_space<vmem_shared>> -> memref<10112x128xf32, #tpu.memory_space<vmem_shared>>
          tpu.enqueue_indirect_dma source(%arg10 : memref<128x128xf32, #tpu.memory_space<vmem>>) target(%dma_start3A_230 : memref<10112x128xf32, #tpu.memory_space<vmem_shared>>) offsets(%dma_start3A_227 : memref<128xi32, #tpu.memory_space<vmem>>) semaphore(%run_scoped3A_224 : memref<!tpu.dma_semaphore, #tpu.memory_space<semaphore_mem>>) {add = true}
          %dma_wait3A_231 = arith.constant 0 : i32
          %dma_wait3A_232 = tpu.memref_slice %arg8[%run_scoped3A_223, %dma_wait3A_231] : memref<20x128xi32, #tpu.memory_space<vmem>> -> memref<1x128xi32, #tpu.memory_space<vmem>>
          %dma_wait3A_233 = tpu.memref_squeeze %dma_wait3A_232 : memref<1x128xi32, #tpu.memory_space<vmem>> -> memref<128xi32, #tpu.memory_space<vmem>>
          %dma_wait3A_234 = arith.constant 0 : i32
          %dma_wait3A_235 = arith.constant 0 : i32
          %dma_wait3A_236 = tpu.memref_slice %arg11[%dma_wait3A_234, %dma_wait3A_235] : memref<10112x128xf32, #tpu.memory_space<vmem_shared>> -> memref<10112x128xf32, #tpu.memory_space<vmem_shared>>
          tpu.wait_indirect_dma semaphore(%run_scoped3A_224 : memref<!tpu.dma_semaphore, #tpu.memory_space<semaphore_mem>>) src(%arg10 : memref<128x128xf32, #tpu.memory_space<vmem>>) dst(%dma_wait3A_236 : memref<10112x128xf32, #tpu.memory_space<vmem_shared>>)
          tpu.yield
        }) : () -> ()
      } else {
      }
      %add3A_172 = arith.constant 3 : i32
      %add3A_173 = arith.addi %mul3A_147, %add3A_172 : i32
      %lt3A_174 = arith.constant 4 : i32
      %lt3A_175 = arith.cmpi slt, %add3A_173, %lt3A_174 : i32
      %add3A_176 = arith.constant 3 : i32
      %add3A_177 = arith.addi %add3A_148, %add3A_176 : i32
      %lt3A_178 = arith.constant 125 : i32
      %lt3A_179 = arith.cmpi slt, %add3A_177, %lt3A_178 : i32
      %and3A_180 = arith.andi %lt3A_175, %lt3A_179 : i1
      %convert_element_type3A_181 = arith.extui %and3A_180 : i1 to i32
      %cond3A_182 = arith.constant 0 : i32
      %cond3A_183 = arith.cmpi ne, %convert_element_type3A_181, %cond3A_182 : i32
      scf.if %cond3A_183 {
        %add3A_184 = arith.constant 3 : i32
        %add3A_185 = arith.addi %add3A_148, %add3A_184 : i32
        %dma_start3A_186 = arith.constant 0 : i32
        %dma_start3A_187 = arith.constant 0 : i32
        %dma_start3A_188 = arith.constant 0 : i32
        %dma_start3A_189 = tpu.memref_slice %arg3[%dma_start3A_186, %add3A_185, %dma_start3A_187, %dma_start3A_188] : memref<2x125x20x128xi32, #tpu.memory_space<hbm>> -> memref<1x1x20x128xi32, #tpu.memory_space<hbm>>
        %dma_start3A_190 = tpu.memref_squeeze %dma_start3A_189 : memref<1x1x20x128xi32, #tpu.memory_space<hbm>> -> memref<20x128xi32, #tpu.memory_space<hbm>>
        %dma_start3A_191 = arith.constant 0 : i32
        %dma_start3A_192 = arith.constant 0 : i32
        %dma_start3A_193 = tpu.memref_slice %arg3[%dma_start3A_186, %add3A_185, %dma_start3A_191, %dma_start3A_192] : memref<2x125x20x128xi32, #tpu.memory_space<hbm>> -> memref<1x1x20x128xi32, #tpu.memory_space<hbm>>
        %dma_start3A_194 = tpu.memref_squeeze %dma_start3A_193 : memref<1x1x20x128xi32, #tpu.memory_space<hbm>> -> memref<20x128xi32, #tpu.memory_space<hbm>>
        tpu.enqueue_dma source(%dma_start3A_194 : memref<20x128xi32, #tpu.memory_space<hbm>>) target(%arg7 : memref<20x128xi32, #tpu.memory_space<vmem>>) target_semaphore(%arg15 : memref<!tpu.dma_semaphore, #tpu.memory_space<semaphore_mem>>)
        %dma_start3A_195 = arith.constant 1 : i32
        %dma_start3A_196 = arith.constant 0 : i32
        %dma_start3A_197 = arith.constant 0 : i32
        %dma_start3A_198 = tpu.memref_slice %arg3[%dma_start3A_195, %add3A_185, %dma_start3A_196, %dma_start3A_197] : memref<2x125x20x128xi32, #tpu.memory_space<hbm>> -> memref<1x1x20x128xi32, #tpu.memory_space<hbm>>
        %dma_start3A_199 = tpu.memref_squeeze %dma_start3A_198 : memref<1x1x20x128xi32, #tpu.memory_space<hbm>> -> memref<20x128xi32, #tpu.memory_space<hbm>>
        %dma_start3A_200 = arith.constant 0 : i32
        %dma_start3A_201 = arith.constant 0 : i32
        %dma_start3A_202 = tpu.memref_slice %arg3[%dma_start3A_195, %add3A_185, %dma_start3A_200, %dma_start3A_201] : memref<2x125x20x128xi32, #tpu.memory_space<hbm>> -> memref<1x1x20x128xi32, #tpu.memory_space<hbm>>
        %dma_start3A_203 = tpu.memref_squeeze %dma_start3A_202 : memref<1x1x20x128xi32, #tpu.memory_space<hbm>> -> memref<20x128xi32, #tpu.memory_space<hbm>>
        tpu.enqueue_dma source(%dma_start3A_203 : memref<20x128xi32, #tpu.memory_space<hbm>>) target(%arg8 : memref<20x128xi32, #tpu.memory_space<vmem>>) target_semaphore(%arg15 : memref<!tpu.dma_semaphore, #tpu.memory_space<semaphore_mem>>)
      } else {
      }
    }
    %scan3A_135 = arith.constant 2 : i32
    %barrier3A_136 = arith.constant 0 : index
    tpu.barrier barrier_id(%barrier3A_136)
    %mul3A_137 = arith.constant 624 : i32
    %mul3A_138 = arith.muli %arg1, %mul3A_137 : i32
    %mul3A_139 = arith.constant 624 : i32
    %mul3A_140 = arith.muli %arg1, %mul3A_139 : i32
    "tpu.region"() ({
      %run_scoped3A = tpu.sem_alloc : memref<!tpu.dma_semaphore, #tpu.memory_space<semaphore_mem>>
      %dma_start3A_145 = arith.constant 0 : i32
      %dma_start3A_146 = tpu.memref_slice %arg4[%arg0, %mul3A_140, %dma_start3A_145] : memref<2x10000x128xf32, #tpu.memory_space<hbm>> -> memref<1x624x128xf32, #tpu.memory_space<hbm>>
      %dma_start3A_147 = tpu.memref_squeeze %dma_start3A_146 : memref<1x624x128xf32, #tpu.memory_space<hbm>> -> memref<624x128xf32, #tpu.memory_space<hbm>>
      %dma_start3A_148 = arith.constant 0 : i32
      %dma_start3A_149 = tpu.memref_slice %arg11[%mul3A_138, %dma_start3A_148] : memref<10112x128xf32, #tpu.memory_space<vmem_shared>> -> memref<624x128xf32, #tpu.memory_space<vmem_shared>>
      tpu.enqueue_dma source(%dma_start3A_149 : memref<624x128xf32, #tpu.memory_space<vmem_shared>>) target(%dma_start3A_147 : memref<624x128xf32, #tpu.memory_space<hbm>>) target_semaphore(%run_scoped3A : memref<!tpu.dma_semaphore, #tpu.memory_space<semaphore_mem>>)
      %dma_wait3A_150 = arith.constant 0 : i32
      %dma_wait3A_151 = tpu.memref_slice %arg4[%arg0, %mul3A_140, %dma_wait3A_150] : memref<2x10000x128xf32, #tpu.memory_space<hbm>> -> memref<1x624x128xf32, #tpu.memory_space<hbm>>
      %dma_wait3A_152 = tpu.memref_squeeze %dma_wait3A_151 : memref<1x624x128xf32, #tpu.memory_space<hbm>> -> memref<624x128xf32, #tpu.memory_space<hbm>>
      %dma_wait3A_153 = arith.constant 0 : i32
      %dma_wait3A_154 = tpu.memref_slice %arg11[%mul3A_138, %dma_wait3A_153] : memref<10112x128xf32, #tpu.memory_space<vmem_shared>> -> memref<624x128xf32, #tpu.memory_space<vmem_shared>>
      tpu.wait_dma2 semaphore(%run_scoped3A : memref<!tpu.dma_semaphore, #tpu.memory_space<semaphore_mem>>) src(%dma_wait3A_154 : memref<624x128xf32, #tpu.memory_space<vmem_shared>>) dst(%dma_wait3A_152 : memref<624x128xf32, #tpu.memory_space<hbm>>)
      tpu.yield
    }) : () -> ()
    %eq3A = arith.constant 15 : i32
    %eq3A_141 = arith.cmpi eq, %arg1, %eq3A : i32
    %convert_element_type3A_142 = arith.extui %eq3A_141 : i1 to i32
    %cond3A_143 = arith.constant 0 : i32
    %cond3A_144 = arith.cmpi ne, %convert_element_type3A_142, %cond3A_143 : i32
    scf.if %cond3A_144 {
      "tpu.region"() ({
        %run_scoped3A = tpu.sem_alloc : memref<!tpu.dma_semaphore, #tpu.memory_space<semaphore_mem>>
        %dma_start3A_145 = arith.constant 9984 : i32
        %dma_start3A_146 = arith.constant 0 : i32
        %dma_start3A_147 = tpu.memref_slice %arg4[%arg0, %dma_start3A_145, %dma_start3A_146] : memref<2x10000x128xf32, #tpu.memory_space<hbm>> -> memref<1x16x128xf32, #tpu.memory_space<hbm>>
        %dma_start3A_148 = tpu.memref_squeeze %dma_start3A_147 : memref<1x16x128xf32, #tpu.memory_space<hbm>> -> memref<16x128xf32, #tpu.memory_space<hbm>>
        %dma_start3A_149 = arith.constant 9984 : i32
        %dma_start3A_150 = arith.constant 0 : i32
        %dma_start3A_151 = tpu.memref_slice %arg11[%dma_start3A_149, %dma_start3A_150] : memref<10112x128xf32, #tpu.memory_space<vmem_shared>> -> memref<16x128xf32, #tpu.memory_space<vmem_shared>>
        tpu.enqueue_dma source(%dma_start3A_151 : memref<16x128xf32, #tpu.memory_space<vmem_shared>>) target(%dma_start3A_148 : memref<16x128xf32, #tpu.memory_space<hbm>>) target_semaphore(%run_scoped3A : memref<!tpu.dma_semaphore, #tpu.memory_space<semaphore_mem>>)
        %dma_wait3A_152 = arith.constant 9984 : i32
        %dma_wait3A_153 = arith.constant 0 : i32
        %dma_wait3A_154 = tpu.memref_slice %arg4[%arg0, %dma_wait3A_152, %dma_wait3A_153] : memref<2x10000x128xf32, #tpu.memory_space<hbm>> -> memref<1x16x128xf32, #tpu.memory_space<hbm>>
        %dma_wait3A_155 = tpu.memref_squeeze %dma_wait3A_154 : memref<1x16x128xf32, #tpu.memory_space<hbm>> -> memref<16x128xf32, #tpu.memory_space<hbm>>
        %dma_wait3A_156 = arith.constant 9984 : i32
        %dma_wait3A_157 = arith.constant 0 : i32
        %dma_wait3A_158 = tpu.memref_slice %arg11[%dma_wait3A_156, %dma_wait3A_157] : memref<10112x128xf32, #tpu.memory_space<vmem_shared>> -> memref<16x128xf32, #tpu.memory_space<vmem_shared>>
        tpu.wait_dma2 semaphore(%run_scoped3A : memref<!tpu.dma_semaphore, #tpu.memory_space<semaphore_mem>>) src(%dma_wait3A_158 : memref<16x128xf32, #tpu.memory_space<vmem_shared>>) dst(%dma_wait3A_155 : memref<16x128xf32, #tpu.memory_space<hbm>>)
        tpu.yield
      }) : () -> ()
    } else {
    }
    return
  }
}

module attributes {stable_mosaic.version = 14 : i64} {
  func.func @body(%arg0: i32, %arg1: memref<1x1xf32, #tpu.memory_space<smem>>, %arg2: memref<2000x128xf32, #tpu.memory_space<vmem>>, %arg3: memref<1x2000x128xf32, #tpu.memory_space<vmem>>, %arg4: memref<1x2000x128xf32, #tpu.memory_space<vmem>>, %arg5: memref<128x256xf32, #tpu.memory_space<vmem>>, %arg6: memref<1x256xf32, #tpu.memory_space<vmem>>, %arg7: memref<1x256xf32, #tpu.memory_space<vmem>>, %arg8: memref<1x256xf32, #tpu.memory_space<vmem>>, %arg9: memref<256x128xf32, #tpu.memory_space<vmem>>, %arg10: memref<1x128xf32, #tpu.memory_space<vmem>>, %arg11: memref<1x128xf32, #tpu.memory_space<vmem>>, %arg12: memref<1x128xf32, #tpu.memory_space<vmem>>, %arg13: memref<2000x128xf32, #tpu.memory_space<vmem>>) attributes {dimension_semantics = [#tpu.dimension_semantics<arbitrary>], iteration_bounds = array<i64: 5>, scalar_prefetch = 0 : i64, scratch_operands = 0 : i64, tpu.core_type = #tpu.core_type<tc>, window_params = [{transform_indices = @transform_0, window_bounds = array<i64: 1, 1>}, {transform_indices = @transform_1, window_bounds = array<i64: 2000, 128>}, {transform_indices = @transform_2, window_bounds = array<i64: 1, 2000, 128>}, {transform_indices = @transform_3, window_bounds = array<i64: 1, 2000, 128>}, {pipeline_mode = #tpu.pipeline_mode<synchronous>, transform_indices = @transform_4, window_bounds = array<i64: 128, 256>}, {pipeline_mode = #tpu.pipeline_mode<synchronous>, transform_indices = @transform_5, window_bounds = array<i64: 1, 256>}, {pipeline_mode = #tpu.pipeline_mode<synchronous>, transform_indices = @transform_6, window_bounds = array<i64: 1, 256>}, {pipeline_mode = #tpu.pipeline_mode<synchronous>, transform_indices = @transform_7, window_bounds = array<i64: 1, 256>}, {pipeline_mode = #tpu.pipeline_mode<synchronous>, transform_indices = @transform_8, window_bounds = array<i64: 256, 128>}, {pipeline_mode = #tpu.pipeline_mode<synchronous>, transform_indices = @transform_9, window_bounds = array<i64: 1, 128>}, {pipeline_mode = #tpu.pipeline_mode<synchronous>, transform_indices = @transform_10, window_bounds = array<i64: 1, 128>}, {pipeline_mode = #tpu.pipeline_mode<synchronous>, transform_indices = @transform_11, window_bounds = array<i64: 1, 128>}, {transform_indices = @transform_12, window_bounds = array<i64: 2000, 128>}]} {
    %get3A = arith.constant 0 : index
    %get3A_0 = arith.constant 0 : index
    %get3A_1 = vector.load %arg2[%get3A, %get3A_0] : memref<2000x128xf32, #tpu.memory_space<vmem>>, vector<2000x128xf32>
    %get3A_2 = arith.constant 0 : index
    %get3A_3 = arith.constant 0 : index
    %get3A_4 = memref.load %arg1[%get3A_2, %get3A_3] : memref<1x1xf32, #tpu.memory_space<smem>>
    %add3A = arith.constant 1.000000e+00 : f32
    %add3A_5 = arith.addf %add3A, %get3A_4 : f32
    %mul3A = vector.broadcast %add3A_5 : f32 to vector<2000x128xf32>
    %mul3A_6 = arith.mulf %get3A_1, %mul3A : vector<2000x128xf32>
    %get3A_7 = arith.constant 0 : index
    %get3A_8 = arith.constant 0 : index
    %get3A_9 = arith.constant 0 : index
    %get3A_10 = vector.load %arg3[%get3A_7, %get3A_8, %get3A_9] : memref<1x2000x128xf32, #tpu.memory_space<vmem>>, vector<1x2000x128xf32>
    %get3A_11 = vector.shape_cast %get3A_10 : vector<1x2000x128xf32> to vector<2000x128xf32>
    %add3A_12 = arith.addf %mul3A_6, %get3A_11 : vector<2000x128xf32>
    %get3A_13 = arith.constant 0 : index
    %get3A_14 = arith.constant 0 : index
    %get3A_15 = arith.constant 0 : index
    %get3A_16 = vector.load %arg4[%get3A_13, %get3A_14, %get3A_15] : memref<1x2000x128xf32, #tpu.memory_space<vmem>>, vector<1x2000x128xf32>
    %get3A_17 = vector.shape_cast %get3A_16 : vector<1x2000x128xf32> to vector<2000x128xf32>
    %add3A_18 = arith.addf %add3A_12, %get3A_17 : vector<2000x128xf32>
    %get3A_19 = arith.constant 0 : index
    %get3A_20 = arith.constant 0 : index
    %get3A_21 = vector.load %arg5[%get3A_19, %get3A_20] : memref<128x256xf32, #tpu.memory_space<vmem>>, vector<128x256xf32>
    %get3A_22 = arith.constant 0 : index
    %get3A_23 = arith.constant 0 : index
    %get3A_24 = vector.load %arg7[%get3A_22, %get3A_23] : memref<1x256xf32, #tpu.memory_space<vmem>>, vector<1x256xf32>
    %mul3A_25 = arith.constant 0.999994993 : f32
    %mul3A_26 = vector.broadcast %mul3A_25 : f32 to vector<1x256xf32>
    %mul3A_27 = arith.mulf %get3A_24, %mul3A_26 : vector<1x256xf32>
    %mul3A_28 = vector.broadcast %mul3A_27 : vector<1x256xf32> to vector<128x256xf32>
    %mul3A_29 = arith.mulf %get3A_21, %mul3A_28 : vector<128x256xf32>
    %convert_element_type3A = arith.truncf %mul3A_29 : vector<128x256xf32> to vector<128x256xbf16>
    %convert_element_type3A_30 = arith.truncf %add3A_18 : vector<2000x128xf32> to vector<2000x128xbf16>
    %dot_general3A = arith.constant dense<0.000000e+00> : vector<2000x256xf32>
    %dot_general3A_31 = tpu.matmul %convert_element_type3A_30, %convert_element_type3A, %dot_general3A {dimension_numbers = #tpu.dot_dimension_numbers<[1], [0], [0], [1], [0, 0, 1, 1], [], []>, transpose_lhs_hint = false} : vector<2000x128xbf16>, vector<128x256xbf16>, vector<2000x256xf32> -> vector<2000x256xf32>
    %get3A_32 = arith.constant 0 : index
    %get3A_33 = arith.constant 0 : index
    %get3A_34 = vector.load %arg6[%get3A_32, %get3A_33] : memref<1x256xf32, #tpu.memory_space<vmem>>, vector<1x256xf32>
    %get3A_35 = arith.constant 0 : index
    %get3A_36 = arith.constant 0 : index
    %get3A_37 = vector.load %arg7[%get3A_35, %get3A_36] : memref<1x256xf32, #tpu.memory_space<vmem>>, vector<1x256xf32>
    %mul3A_38 = arith.mulf %get3A_34, %get3A_37 : vector<1x256xf32>
    %mul3A_39 = arith.constant 0.999994993 : f32
    %mul3A_40 = vector.broadcast %mul3A_39 : f32 to vector<1x256xf32>
    %mul3A_41 = arith.mulf %mul3A_38, %mul3A_40 : vector<1x256xf32>
    %get3A_42 = arith.constant 0 : index
    %get3A_43 = arith.constant 0 : index
    %get3A_44 = vector.load %arg8[%get3A_42, %get3A_43] : memref<1x256xf32, #tpu.memory_space<vmem>>, vector<1x256xf32>
    %add3A_45 = arith.addf %mul3A_41, %get3A_44 : vector<1x256xf32>
    %add3A_46 = vector.broadcast %add3A_45 : vector<1x256xf32> to vector<2000x256xf32>
    %add3A_47 = arith.addf %dot_general3A_31, %add3A_46 : vector<2000x256xf32>
    %max3A = arith.constant 0.000000e+00 : f32
    %max3A_48 = vector.broadcast %max3A : f32 to vector<2000x256xf32>
    %max3A_49 = arith.maximumf %add3A_47, %max3A_48 : vector<2000x256xf32>
    %get3A_50 = arith.constant 0 : index
    %get3A_51 = arith.constant 0 : index
    %get3A_52 = vector.load %arg9[%get3A_50, %get3A_51] : memref<256x128xf32, #tpu.memory_space<vmem>>, vector<256x128xf32>
    %get3A_53 = arith.constant 0 : index
    %get3A_54 = arith.constant 0 : index
    %get3A_55 = vector.load %arg11[%get3A_53, %get3A_54] : memref<1x128xf32, #tpu.memory_space<vmem>>, vector<1x128xf32>
    %mul3A_56 = arith.constant 0.999994993 : f32
    %mul3A_57 = vector.broadcast %mul3A_56 : f32 to vector<1x128xf32>
    %mul3A_58 = arith.mulf %get3A_55, %mul3A_57 : vector<1x128xf32>
    %mul3A_59 = vector.broadcast %mul3A_58 : vector<1x128xf32> to vector<256x128xf32>
    %mul3A_60 = arith.mulf %get3A_52, %mul3A_59 : vector<256x128xf32>
    %convert_element_type3A_61 = arith.truncf %mul3A_60 : vector<256x128xf32> to vector<256x128xbf16>
    %convert_element_type3A_62 = arith.truncf %max3A_49 : vector<2000x256xf32> to vector<2000x256xbf16>
    %dot_general3A_63 = arith.constant dense<0.000000e+00> : vector<2000x128xf32>
    %dot_general3A_64 = tpu.matmul %convert_element_type3A_62, %convert_element_type3A_61, %dot_general3A_63 {dimension_numbers = #tpu.dot_dimension_numbers<[1], [0], [0], [1], [0, 0, 1, 1], [], []>, transpose_lhs_hint = false} : vector<2000x256xbf16>, vector<256x128xbf16>, vector<2000x128xf32> -> vector<2000x128xf32>
    %get3A_65 = arith.constant 0 : index
    %get3A_66 = arith.constant 0 : index
    %get3A_67 = vector.load %arg10[%get3A_65, %get3A_66] : memref<1x128xf32, #tpu.memory_space<vmem>>, vector<1x128xf32>
    %get3A_68 = arith.constant 0 : index
    %get3A_69 = arith.constant 0 : index
    %get3A_70 = vector.load %arg11[%get3A_68, %get3A_69] : memref<1x128xf32, #tpu.memory_space<vmem>>, vector<1x128xf32>
    %mul3A_71 = arith.mulf %get3A_67, %get3A_70 : vector<1x128xf32>
    %mul3A_72 = arith.constant 0.999994993 : f32
    %mul3A_73 = vector.broadcast %mul3A_72 : f32 to vector<1x128xf32>
    %mul3A_74 = arith.mulf %mul3A_71, %mul3A_73 : vector<1x128xf32>
    %get3A_75 = arith.constant 0 : index
    %get3A_76 = arith.constant 0 : index
    %get3A_77 = vector.load %arg12[%get3A_75, %get3A_76] : memref<1x128xf32, #tpu.memory_space<vmem>>, vector<1x128xf32>
    %add3A_78 = arith.addf %mul3A_74, %get3A_77 : vector<1x128xf32>
    %add3A_79 = vector.broadcast %add3A_78 : vector<1x128xf32> to vector<2000x128xf32>
    %add3A_80 = arith.addf %dot_general3A_64, %add3A_79 : vector<2000x128xf32>
    %add3A_81 = arith.addf %add3A_80, %get3A_1 : vector<2000x128xf32>
    %max3A_82 = arith.constant 0.000000e+00 : f32
    %max3A_83 = vector.broadcast %max3A_82 : f32 to vector<2000x128xf32>
    %max3A_84 = arith.maximumf %add3A_81, %max3A_83 : vector<2000x128xf32>
    %swap3A = arith.constant 0 : index
    %swap3A_85 = arith.constant 0 : index
    %swap3A_86 = vector.load %arg13[%swap3A, %swap3A_85] : memref<2000x128xf32, #tpu.memory_space<vmem>>, vector<2000x128xf32>
    tpu.vector_store %arg13[%swap3A, %swap3A_85], %max3A_84 {strides = array<i32>} : memref<2000x128xf32, #tpu.memory_space<vmem>>, vector<2000x128xf32>,
    return
  }
  func.func @transform_0(%arg0: i32) -> (i32, i32) {
    %c0_i32 = arith.constant 0 : i32
    %c0_i32_0 = arith.constant 0 : i32
    %c0_i32_1 = arith.constant 0 : i32
    return %c0_i32, %c0_i32_0 : i32, i32
  }
  func.func @transform_1(%arg0: i32) -> (i32, i32) {
    %c0_i32 = arith.constant 0 : i32
    %c0_i32_0 = arith.constant 0 : i32
    return %arg0, %c0_i32 : i32, i32
  }
  func.func @transform_2(%arg0: i32) -> (i32, i32, i32) {
    %c0_i32 = arith.constant 0 : i32
    %c0_i32_0 = arith.constant 0 : i32
    %c0_i32_1 = arith.constant 0 : i32
    return %c0_i32, %arg0, %c0_i32_0 : i32, i32, i32
  }
  func.func @transform_3(%arg0: i32) -> (i32, i32, i32) {
    %c1_i32 = arith.constant 1 : i32
    %c0_i32 = arith.constant 0 : i32
    %c0_i32_0 = arith.constant 0 : i32
    return %c1_i32, %arg0, %c0_i32 : i32, i32, i32
  }
  func.func @transform_4(%arg0: i32) -> (i32, i32) {
    %c0_i32 = arith.constant 0 : i32
    %c0_i32_0 = arith.constant 0 : i32
    %c0_i32_1 = arith.constant 0 : i32
    return %c0_i32, %c0_i32_0 : i32, i32
  }
  func.func @transform_5(%arg0: i32) -> (i32, i32) {
    %c0_i32 = arith.constant 0 : i32
    %c0_i32_0 = arith.constant 0 : i32
    %c0_i32_1 = arith.constant 0 : i32
    return %c0_i32, %c0_i32_0 : i32, i32
  }
  func.func @transform_6(%arg0: i32) -> (i32, i32) {
    %c0_i32 = arith.constant 0 : i32
    %c0_i32_0 = arith.constant 0 : i32
    %c0_i32_1 = arith.constant 0 : i32
    return %c0_i32, %c0_i32_0 : i32, i32
  }
  func.func @transform_7(%arg0: i32) -> (i32, i32) {
    %c0_i32 = arith.constant 0 : i32
    %c0_i32_0 = arith.constant 0 : i32
    %c0_i32_1 = arith.constant 0 : i32
    return %c0_i32, %c0_i32_0 : i32, i32
  }
  func.func @transform_8(%arg0: i32) -> (i32, i32) {
    %c0_i32 = arith.constant 0 : i32
    %c0_i32_0 = arith.constant 0 : i32
    %c0_i32_1 = arith.constant 0 : i32
    return %c0_i32, %c0_i32_0 : i32, i32
  }
  func.func @transform_9(%arg0: i32) -> (i32, i32) {
    %c0_i32 = arith.constant 0 : i32
    %c0_i32_0 = arith.constant 0 : i32
    %c0_i32_1 = arith.constant 0 : i32
    return %c0_i32, %c0_i32_0 : i32, i32
  }
  func.func @transform_10(%arg0: i32) -> (i32, i32) {
    %c0_i32 = arith.constant 0 : i32
    %c0_i32_0 = arith.constant 0 : i32
    %c0_i32_1 = arith.constant 0 : i32
    return %c0_i32, %c0_i32_0 : i32, i32
  }
  func.func @transform_11(%arg0: i32) -> (i32, i32) {
    %c0_i32 = arith.constant 0 : i32
    %c0_i32_0 = arith.constant 0 : i32
    %c0_i32_1 = arith.constant 0 : i32
    return %c0_i32, %c0_i32_0 : i32, i32
  }
  func.func @transform_12(%arg0: i32) -> (i32, i32) {
    %c0_i32 = arith.constant 0 : i32
    %c0_i32_0 = arith.constant 0 : i32
    return %arg0, %c0_i32 : i32, i32
  }
}

</mosaic_0001>

<sc_bundles>
// kernel: kernel.4.cloned.1.call-start
scs
__scs_entry_jumppad:
0x0: {  	(pc) =	sbr.rel $0x88, $3  }
0x1: {  	(tag) =	ssettag $0x0;
	lr =	simm.s32 $0x1  }
0x2: {  	[smem:$0x3F96] =	sst lr;
	_ =	strace $0xD0000000  }
0x3: {  	_ = 	snop  }
0x4: {  	_ = 	snop  }
0x5: {  	_ = 	snop  }
0x6: {  	_ = 	snop  }
0x7: {  	_ = 	snop  }
__scs_overlays_trampoline_lowered:
0x8: {  	[smem:$0x3FA5] =	sst s0  }
0x9: {  	[smem:$0x3FA6] =	sst s1  }
0xa: {  	[smem:$0x3FA7] =	sst s2  }
0xb: {  	[smem:$0x3FA8] =	sst s3  }
0xc: {  	[smem:$0x3FA9] =	sst s4  }
0xd: {  	[smem:$0x3FAA] =	sst s5  }
0xe: {  	[smem:$0x3FAB] =	sst s6  }
0xf: {  	[smem:$0x3FAC] =	sst s7  }
0x10: {  	[smem:$0x3FAD] =	sst s8  }
0x11: {  	[smem:$0x3FAE] =	sst s9;
	s0 =	simm.s32 @!p0 $0x0  }
0x12: {  	s1 =	sld [smem:$0x3F94];
	s0 =	simm.s32 @p0 $0x1  }
0x13: {  	[smem:$0x3FAF] =	sst s0;
	s0 =	simm.s32 @!p1 $0x0  }
0x14: {  	s2 =	sld [smem:$0x3F93];
	s0 =	simm.s32 @p1 $0x1  }
0x15: {  	[smem:$0x3FB0] =	sst s0;
	s0 =	simm.s32 @!p2 $0x0  }
0x16: {  	s3 =	sld [smem:$0x3FDB];
	s0 =	simm.s32 @p2 $0x1  }
0x17: {  	s4 =	simm.s32 $0x1BF5;
	[smem:$0x3FB2] =	sst s0  }
0x18: {  	s0 =	sld [smem:$0x3F95];
	_ =	swait.ge [sflag:s4], $0x0  }
0x19: {  	s7 =	sld [smem:$0x3F96]  }
0x1a: {  	s8 =	sadd.s32 $0xFFFFE003, lr  }
0x1b: {  	s9 =	sadd.s32 $0xFFFFFEF7, lr;
	s5 =	simm.s32 $0xFFFFFFFF;
	p2 =	slt.u32 s8, $0xFFFFF086  }
0x1c: {  	p1 =	slt.u32 s9, $0xF7A;
	s5 =	simm.s32 @!p2 $0x0  }
0x1d: {  	s5 =	simm.s32 @p1 $0x1;
	p0 =	seq.s32 s7, s2  }
0x1e: {  	s7 =	smul.u32 @!p0 $0xF7A, s2;
	p2 =	seq.s32 @!p0 s5, $0x0  }
0x1f: {  	s9 =	smul.u32 $0xF7A, s1;
	s8 =	simm.s32 @!p0 $0x1BF5;
	p2 =	por !p2, p0  }
0x20: {  	[sflag:s8] =	ssyncset.s32 @!p0 $0xFFFFF086;
	s6 =	sadd.s32 @!p0 s3, s7;
	s7 =	simm.s32 @!p0 $0x108  }
0x21: {  	s3 =	sadd.s32 s3, s9;
	s6 =	sadd.s32 @!p0 $0x88, s6;
	s7 =	simm.s32 @p2 $0x1082  }
0x22: {  	[simem:s7], [sflag:s8] =	dma.local @!p0 [hbm:s6], $0xF7A  }
0x23: {  	s9 =	sor.u32 $0xD0000000, s2;
	s6 =	simm.s32 $0x108;
	_ =	swait.ge @!p0 [sflag:s8], $0x0  }
0x24: {  	s3 =	sadd.s32 $0x88, s3;
	s6 =	simm.s32 @!p1 $0x1082;
	[sflag:s4] =	ssyncset.s32 $0xFFFFF086  }
0x25: {  	[simem:s6], [sflag:s4] =	dma.local [hbm:s3], $0xF7A  }
0x26: {  	[smem:$0x3F96] =	sst s1;
	(tag) =	ssettag s2;
	_ =	strace s9  }
0x27: {  	s1 =	sld [smem:$0x3FA6]  }
0x28: {  	s2 =	sld [smem:$0x3FA7]  }
0x29: {  	s4 =	sld [smem:$0x3FA9]  }
0x2a: {  	p0 =	seq.s32 s5, $0x0;
	s5 =	sld [smem:$0x3FAA]  }
0x2b: {  	s6 =	sld [smem:$0x3FAB]  }
0x2c: {  	s7 =	sld [smem:$0x3FAC]  }
0x2d: {  	s3 =	simm.s32 $0x108;
	s8 =	sld [smem:$0x3FAD]  }
0x2e: {  	s3 =	simm.s32 @!p0 $0x1082;
	s9 =	sld [smem:$0x3FAE]  }
0x2f: {  	lr =	sadd.s32 s0, s3;
	s0 =	sld [smem:$0x3FA5]  }
0x30: {  	s3 =	sld [smem:$0x3FA8]  }
0x31: {  	[smem:$0x3FB1] =	sst s10  }
0x32: {  	s10 =	sld [smem:$0x3FAF];
	_ =	sdelay $0x3  }
0x33: {  	p0 =	seq.s32 s10, $0x1;
	s10 =	sld [smem:$0x3FB1];
	_ =	sdelay $0x3  }
0x34: {  	[smem:$0x3FB1] =	sst s10  }
0x35: {  	s10 =	sld [smem:$0x3FB0];
	_ =	sdelay $0x3  }
0x36: {  	p1 =	seq.s32 s10, $0x1;
	s10 =	sld [smem:$0x3FB1];
	_ =	sdelay $0x3  }
0x37: {  	[smem:$0x3FB1] =	sst s10  }
0x38: {  	s10 =	sld [smem:$0x3FB2]  }
0x39: {  	_ = 	snop;
	(pc) =	sbr.ind lr, $3  }
0x3a: {  	_ = 	snop  }
0x3b: {  	_ = 	snop  }
0x3c: {  	p2 =	seq.s32 s10, $0x1;
	s10 =	sld [smem:$0x3FB1]  }
0x3d: {  	_ =	shalt  }
0x3e: {  	_ =	shalt  }
0x3f: {  	_ =	shalt  }
0x40: {  	_ =	shalt  }
0x41: {  	_ =	shalt  }
0x42: {  	_ =	shalt  }
0x43: {  	_ =	shalt  }
0x44: {  	_ =	shalt  }
0x45: {  	_ =	shalt  }
0x46: {  	_ =	shalt  }
0x47: {  	_ =	shalt  }
0x48: {  	_ =	shalt  }
0x49: {  	_ =	shalt  }
0x4a: {  	_ =	shalt  }
0x4b: {  	_ =	shalt  }
0x4c: {  	_ =	shalt  }
0x4d: {  	_ =	shalt  }
0x4e: {  	_ =	shalt  }
0x4f: {  	_ =	shalt  }
0x50: {  	_ =	shalt  }
0x51: {  	_ =	shalt  }
0x52: {  	_ =	shalt  }
0x53: {  	_ =	shalt  }
0x54: {  	_ =	shalt  }
0x55: {  	_ =	shalt  }
0x56: {  	_ =	shalt  }
0x57: {  	_ =	shalt  }
0x58: {  	_ =	shalt  }
0x59: {  	_ =	shalt  }
0x5a: {  	_ =	shalt  }
0x5b: {  	_ =	shalt  }
0x5c: {  	_ =	shalt  }
0x5d: {  	_ =	shalt  }
0x5e: {  	_ =	shalt  }
0x5f: {  	_ =	shalt  }
0x60: {  	_ =	shalt  }
0x61: {  	_ =	shalt  }
0x62: {  	_ =	shalt  }
0x63: {  	_ =	shalt  }
0x64: {  	_ =	shalt  }
0x65: {  	_ =	shalt  }
0x66: {  	_ =	shalt  }
0x67: {  	_ =	shalt  }
0x68: {  	_ =	shalt  }
0x69: {  	_ =	shalt  }
0x6a: {  	_ =	shalt  }
0x6b: {  	_ =	shalt  }
0x6c: {  	_ =	shalt  }
0x6d: {  	_ =	shalt  }
0x6e: {  	_ =	shalt  }
0x6f: {  	_ =	shalt  }
0x70: {  	_ =	shalt  }
0x71: {  	_ =	shalt  }
0x72: {  	_ =	shalt  }
0x73: {  	_ =	shalt  }
0x74: {  	_ =	shalt  }
0x75: {  	_ =	shalt  }
0x76: {  	_ =	shalt  }
0x77: {  	_ =	shalt  }
0x78: {  	_ =	shalt  }
0x79: {  	_ =	shalt  }
0x7a: {  	_ =	shalt  }
0x7b: {  	_ =	shalt  }
0x7c: {  	_ =	shalt  }
0x7d: {  	_ =	shalt  }
0x7e: {  	_ =	shalt  }
0x7f: {  	_ =	shalt  }
0x80: {  	_ =	shalt  }
0x81: {  	_ =	shalt  }
0x82: {  	_ =	shalt  }
0x83: {  	_ =	shalt  }
0x84: {  	_ =	shalt  }
0x85: {  	_ =	shalt  }
0x86: {  	_ =	shalt  }
0x87: {  	_ =	shalt  }
.Lfunc_end0:
.L_simem_size_0:
called_computation_lowered:
.L_overlay_start_0:
0x88: {  	s2 =	sld [smem:$0x3FD9]  }
0x89: {  	s3 =	sld [smem:$0x3FFE];
	_ =	sdelay $0x1  }
0x8a: {  	s1 =	srdreg.scid  }
0x8b: {  	s0 =	sand.u32 $0x1, s1  }
0x8c: {  	s17 =	sshll.u32 s0, $0xA;
	s2 =	sadd.s32 s3, s2  }
0x8d: {  	s2 =	sadd.s32 s2, s17  }
0x8e: {  	[smem:$0x3FBD] =	sst s2  }
0x8f: {  	_ = 	snop  }
0x90: {  	s2 =	sld [smem:$0x3FC9]  }
0x91: {  	s18 =	sld [smem:$0x3FD0];
	(tm) =	ssettm $0x1  }
0x92: {  	s4 =	sld [smem:$0x3FFB];
	_ =	sdelay $0x3  }
0x93: {  	_ =	strace s4  }
0x94: {  	s4 =	sld [smem:$0x3FFC];
	_ =	sdelay $0x3  }
0x95: {  	_ =	strace s4  }
0x96: {  	s4 =	sld [smem:$0x3FFD];
	_ =	sdelay $0x3  }
0x97: {  	_ =	strace s4  }
0x98: {  	_ =	strace $0x8FFFFFFF  }
0x99: {  	s19 =	sld [smem:$0x3FDB];
	_ =	sdelay $0x1  }
0x9a: {  	s5 =	simm.s32 $_scs_section_size  }
0x9b: {  	s6 =	simm.s32 $_size__tile_overlayer_lowered;
	s7 =	simm.s32 $_tile_overlayer_lowered  }
0x9c: {  	s22 =	simm.s32 $0x1BFF;
	s21 =	sshll.u32 s7, $0x1;
	s4 =	sadd.s32 s5, s19  }
0x9d: {  	s8 =	simm.s32 $0x0;
	s20 =	sshll.u32 s6, $0x1;
	s6 =	sadd.s32 s21, s4  }
0x9e: {  	[timem:s8], [sflag:s22] =	dma.local [hbm:s6], s20  }
0x9f: {  	_ =	swait.ge [sflag:s22], s20  }
0xa0: {  	s5 =	ssub.s32 $0x0, s20;
	[sflag:s22] =	ssyncset.done $0x0  }
0xa1: {  	[sflag:s22] =	ssyncadd.s32 s5;
	_ =	sdelay $0x1  }
0xa2: {  	s23 =	simm.s32 $0x1B8B  }
0xa3: {  	_ =	swait.ge [sflag:s23], $0x1  }
0xa4: {  	[sflag:s23] =	ssyncset.done $0x0  }
0xa5: {  	s25 =	simm.s32 $0x1B8E;
	s24 =	sld [smem:$0x3FFE];
	[sflag:s23] =	ssyncadd.s32 $0xFFFFFFFF  }
0xa6: {  	s26 =	simm.s32 $execute0_lowered;
	[smem:$0x3FD2] =	sst s25  }
0xa7: {  	s6 =	sshll.u32 s26, $0x1;
	_ =	strace $0x80000046;
	[dreg:$0x1] =	wrdreg $0xFFFFFFFF  }
0xa8: {  	s28 =	simm.s32 $_size_execute0_lowered;
	s4 =	sadd.s32 s4, s6;
	[dreg:$0x0] =	wrdreg $0x0  }
0xa9: {  	s6 =	sshll.u32 s28, $0x1;
	[dreg:$0x2] =	wrdreg s4  }
0xaa: {  	[dreg:$0x3] =	wrdreg s6  }
0xab: {  	[dreg:$0x4] =	wrdreg $0xC0  }
0xac: {  	_ =	task [dreg:s8], $0x5FFFF  }
0xad: {  	[dreg:$0x1] =	wrdreg $0xFFFFFFFF  }
0xae: {  	[dreg:$0x0] =	wrdreg $0x60  }
0xaf: {  	[dreg:$0x2] =	wrdreg s2  }
0xb0: {  	[dreg:$0x3] =	wrdreg s18  }
0xb1: {  	[dreg:$0x4] =	wrdreg s24  }
0xb2: {  	[dreg:$0x5] =	wrdreg $0xB0000  }
0xb3: {  	[dreg:$0x6] =	wrdreg $0x9  }
0xb4: {  	_ =	task.clear_ibuf [dreg:s8], $0x7FFFF;
	_ =	strace $0x90000046  }
0xb5: {  	s29 =	simm.s32 $0x9;
	_ =	strace $0x80000048  }
0xb6: {  	_ =	swait.ge [sflag:s29], $0x1  }
0xb7: {  	[sflag:s29] =	ssyncadd.s32 $0xFFFFFFFF  }
0xb8: {  	_ =	strace $0x90000048  }
0xb9: {  	_ =	sfence  }
0xba: {  	s30 =	sld [smem:$0x0];
	_ =	sdelay $0x2  }
0xbb: {  	s31 =	sshll.u32 s1, $0xD;
	s1 =	sshrl.u32 s1, $0x2  }
0xbc: {  	s3 =	sand.u32 $0x4000, s31;
	s1 =	sadd.s32 s1, s30  }
0xbd: {  	s0 =	sor.u32 s3, s0;
	s1 =	sshll.u32 s1, $0x11  }
0xbe: {  	s0 =	sor.u32 s1, s0  }
0xbf: {  	s0 =	sadd.s32 $0x8F2B, s0  }
0xc0: {  	[sflag:s0] =	ssyncadd.remote.s32 $0x1  }
0xc1: {  	_ =	sfence.sel $0xFFFF  }
0xc2: {  	[dreg:$0x0] =	wrdreg $0xFFFFFFFF;
	(pc) =	sbr.abs _section_cstart, $3  }
0xc3: {  	[dreg:$0x1] =	wrdreg $0xFFFFFFFF  }
0xc4: {  	_ =	task.clear_ibuf [dreg:s8], $0x2FFFF;
	_ =	strace $0x9FFFFFFF  }
0xc5: {  	(tm) =	ssettm $0x7FFFFFFF  }
tec
execute0_lowered:
.L_overlay_start_1:
0x0: {  	(tag) =	ssettag $0x1  }
0x1: {  	s1 =	rddreg [dreg:$0x0]  }
0x2: {  	s2 =	rddreg [dreg:$0x1]  }
0x3: {  	s0 =	srdreg.scid;
	s3 =	rddreg [dreg:$0x2]  }
0x4: {  	s11 =	stileid.u32;
	s4 =	rddreg [dreg:$0x3];
	s5 =	simm.s32 $0x0  }
0x5: {  	s28 =	simm.s32 $0x7000;
	s29 =	simm.s32 $0x5;
	s12 =	simm.s32 $0x780  }
0x6: {  	s13 =	simm.s32 $0x1300;
	s14 =	simm.s32 $0x800;
	s15 =	simm.s32 $0x1380  }
0x7: {  	s30 =	simm.s32 $0x0;
	s0 =	sand.u32 $0x1, s0;
	s10 =	smul.u32 $0x4F000, s11  }
0x8: {  	s7 =	sshll.u32 s11, $0x2;
	[smem:$0x7FF] =	sst s5;
	s20 =	smul.u32 $0x13800, s11  }
0x9: {  	s3 =	sadd.s32 $0x1E00, s3;
	s24 =	smul.u32 $0x4E000, s11;
	p1 =	sne.s32 s11, $0xF  }
0xa: {  	s11 =	simm.s32 $0x1280;
	s6 =	sshll.u32 s0, $0x6;
	_ =	strace $0x80000047  }
0xb: {  	s8 =	ssub.s32 $0x2, s0;
	s0 =	smul.u32 $0x138800, s0;
	s6 =	sor.u32 s7, s6  }
0xc: {  	s9 =	sshrl.u32 s8, $0x1;
	s17 =	sshrl.u32 s10, $0x2;
	s25 =	sshrl.u32 s24, $0x2  }
0xd: {  	s24 =	simm.s32 $0x1480;
	s7 =	smul.u32 $0xC00, s6;
	s8 =	ssub.s32 s8, s9  }
0xe: {  	s19 =	sadd.s32 s17, s4;
	s26 =	sadd.s32 s25, s4;
	p0 =	seq.s32 s6, $0x7C  }
0xf: {  	s17 =	simm.s32 $0x1400;
	s21 =	sadd.s32 $0x4000, s19;
	[dreg:$0x8] =	wrdreg s19  }
0x10: {  	s25 =	simm.s32 $0x980;
	s22 =	sadd.s32 $0x8000, s19;
	[dreg:$0xa] =	wrdreg s21  }
0x11: {  	s23 =	sadd.s32 $0xC000, s19;
	s10 =	sadd.s32 $0x10000, s19;
	[dreg:$0xb] =	wrdreg s22  }
0x12: {  	s31 =	smax.u32 s8, $0x1;
	s19 =	simm.s32 $0xC00;
	[dreg:$0xc] =	wrdreg s23  }
0x13: {  	s8 =	simm.s32 $0x1200;
	s7 =	sshrl.u32 s7, $0x3;
	[dreg:$0xd] =	wrdreg s10  }
0x14: {  	[dreg:$0x10] =	wrdreg s31;
	s21 =	simm.s32 $0x3000;
	s16 =	sadd.s32 s2, s7  }
0x15: {  	s22 =	simm.s32 $0x1;
	s7 =	sadd.s32 $0xBB80, s16;
	[dreg:$0x5] =	wrdreg s16  }
0x16: {  	s23 =	simm.s32 $0x2;
	s18 =	sadd.s32 $0x180, s16;
	[dreg:$0x6] =	wrdreg s7  }
0x17: {  	s10 =	simm.s32 $0x1580;
	s9 =	sadd.s32 $0xBD00, s16;
	[dreg:$0x7] =	wrdreg s18  }
0x18: {  	s16 =	simm.s32 $0x880;
	[dreg:$0x9] =	wrdreg s9;
	s7 =	sadd.s32 s20, s0  }
0x19: {  	s0 =	sshrl.u32 s0, $0x3;
	s9 =	simm.s32 $0x700;
	s7 =	sshrl.u32 s7, $0x3  }
.Ltmp0:
0x1a: {  	s0 =	sadd.s32 s3, s0;
	s7 =	sadd.s32 s3, s7;
	(pc) =	sbr.rel .LBB2_1-.Ltmp0, $4  }
0x1b: {  	s18 =	simm.s32 $0x900;
	s0 =	sadd.s32 $0x27000, s0;
	[dreg:$0xe] =	wrdreg s7  }
0x1c: {  	s3 =	sshrl.u32 s26, $0x3;
	[dreg:$0xf] =	wrdreg s0;
	s0 =	sadd.s32 $0x138000, s4  }
0x1d: {  	s26 =	simm.s32 $0x80;
	[dreg:$0x11] =	wrdreg s3;
	s0 =	sshrl.u32 @!p1 s0, $0x3  }
0x1e: {  	v0 =	vimm.f32 $0.0e+00;
	s7 =	simm.s32 $0x1500;
	[dreg:$0x12] =	wrdreg s0;
	s0 =	simm.s32 $0x680  }
.LBB2_10:
0x1f: {  	s3 =	stileid.u32;
	[bflag:$0x0] =	sbarrier.arrive $0xFFFF  }
0x20: {  	s3 =	sshll.u32 s3, $0x6;
	s20 =	rddreg [dreg:$0xe]  }
0x21: {  	s30 =	rddreg [dreg:$0x11];
	s3 =	sor.u32 $0x1C05, s3  }
0x22: {  	[hbm:s20], [sflag:s3] =	dma.local [spmem:s30], $0x2700  }
0x23: {  	_ =	swait.ge [sflag:s29], $0x2700  }
0x24: {  	[sflag:s29] =	ssyncset.done $0x0;
	s20 =	rddreg [dreg:$0xf]  }
0x25: {  	s30 =	rddreg [dreg:$0x12];
	[sflag:s29] =	ssyncadd.s32 $0xFFFFD900  }
0x26: {  	[hbm:s20], [sflag:s3] =	dma.local @!p1 [spmem:s30], $0x100  }
0x27: {  	s3 =	simm.s32 @!p1 $0x5  }
0x28: {  	_ =	swait.ge @!p1 [sflag:s3], $0x100  }
0x29: {  	s30 =	rddreg [dreg:$0x13]  }
0x2a: {  	s31 =	rddreg [dreg:$0x10];
	s30 =	sadd.s32 $0x1, s30  }
0x2b: {  	p2 =	sne.s32 s30, s31  }
.Ltmp1:
0x2c: {  	_ = 	snop;
	(pc) =	sbr.rel @!p2 .LBB2_11-.Ltmp1, $3  }
0x2d: {  	_ =	sdelay $0x1  }
0x2e: {  	[sflag:s3] =	ssyncset.done @!p1 $0x0  }
0x2f: {  	[sflag:s3] =	ssyncadd.s32 @!p1 $0xFFFFFF00  }
.LBB2_1:
0x30: {  	[dreg:$0x13] =	wrdreg s30  }
0x31: {  	s3 =	rddreg [dreg:$0x5]  }
0x32: {  	[tilespmem:s5], [sflag:$0x3] =	stream.linear.gather [hbm4b:s3+s5], $0xA00, $0x38;
	[tilespmem:$0x1EC00] =	vst v63  }
0x33: {  	s20 =	rddreg [dreg:$0x6]  }
0x34: {  	[tilespmem:s19], [sflag:$0x3] =	stream.linear.gather [hbm4b:s20+s5], $0xA00, $0x38;
	[tilespmem:$0x1EC00] =	vst v63  }
0x35: {  	s30 =	simm.s32 @!p0 $0x1800;
	s3 =	rddreg [dreg:$0x7];
	s20 =	simm.s32 @!p0 $0x0  }
0x36: {  	[tilespmem:s30], [sflag:$0x4] =	stream.linear.gather @!p0 [hbm4b:s3+s20], $0xA00, $0x38;
	[tilespmem:$0x1EC00] =	vst v63  }
0x37: {  	s31 =	simm.s32 $0x3;
	s30 =	simm.s32 @!p0 $0x2400;
	s3 =	rddreg [dreg:$0x9]  }
0x38: {  	[tilespmem:s30], [sflag:$0x4] =	stream.linear.gather @!p0 [hbm4b:s3+s20], $0xA00, $0x38;
	[tilespmem:$0x1EC00] =	vst v63  }
0x39: {  	_ =	swait.ge [sflag:s31], $0xA00  }
0x3a: {  	[sflag:s31] =	ssyncset.done $0x0  }
0x3b: {  	[sflag:s31] =	ssyncadd.s32 $0xFFFFF600  }
0x3c: {  	_ =	swait.ge [sflag:s31], $0xA00  }
0x3d: {  	[sflag:s31] =	ssyncset.done $0x0  }
0x3e: {  	s20 =	simm.s32 $0x0;
	s30 =	simm.s32 $0x200;
	[sflag:s31] =	ssyncadd.s32 $0xFFFFF600  }
.LBB2_2:
0x3f: {  	p2 =	sne.s32 s30, $0xFE00;
	[tilespmem:s20+$0x3070] =	vst v0  }
0x40: {  	[tilespmem:s20+$0x3000] =	vst v0  }
0x41: {  	[tilespmem:s20+$0x3010] =	vst v0  }
.Ltmp2:
0x42: {  	[tilespmem:s20+$0x3020] =	vst v0;
	(pc) =	sbr.rel @p2 .LBB2_2-.Ltmp2, $4  }
0x43: {  	[tilespmem:s20+$0x3030] =	vst v0  }
0x44: {  	[tilespmem:s20+$0x3040] =	vst v0  }
0x45: {  	[tilespmem:s20+$0x3050] =	vst v0  }
0x46: {  	[tilespmem:s20+$0x3060] =	vst v0;
	s20 =	sshra.s32 s30, $0x2;
	s30 =	sadd.s32 $0x200, s30  }
0x47: {  	[tilespmem:s20+$0x3070] =	vst v0  }
0x48: {  	[tilespmem:s20+$0x3000] =	vst v0  }
0x49: {  	[tilespmem:s20+$0x3010] =	vst v0  }
0x4a: {  	[tilespmem:s20+$0x3020] =	vst v0  }
0x4b: {  	[tilespmem:s20+$0x3030] =	vst v0  }
0x4c: {  	[tilespmem:s20+$0x3040] =	vst v0  }
0x4d: {  	[tilespmem:s20+$0x3050] =	vst v0  }
0x4e: {  	[tilespmem:s20+$0x3060] =	vst v0;
	s3 =	rddreg [dreg:$0x8]  }
0x4f: {  	[spmem:s3] =	stream.linear.scatter [tilespmem:s21], [sflag:$0x1], $0x4000, $0x38;
	[tilespmem:$0x1EC00] =	vst v63  }
0x50: {  	s31 =	rddreg [dreg:$0xa]  }
0x51: {  	[spmem:s31] =	stream.linear.scatter [tilespmem:s21], [sflag:$0x1], $0x4000, $0x38;
	[tilespmem:$0x1EC00] =	vst v63  }
0x52: {  	s20 =	rddreg [dreg:$0xb]  }
0x53: {  	[spmem:s20] =	stream.linear.scatter [tilespmem:s21], [sflag:$0x1], $0x4000, $0x38;
	[tilespmem:$0x1EC00] =	vst v63  }
0x54: {  	s30 =	rddreg [dreg:$0xc]  }
0x55: {  	[spmem:s30] =	stream.linear.scatter [tilespmem:s21], [sflag:$0x1], $0x4000, $0x38;
	[tilespmem:$0x1EC00] =	vst v63  }
0x56: {  	s31 =	rddreg [dreg:$0xd]  }
0x57: {  	[spmem:s31] =	stream.linear.scatter [tilespmem:s21], [sflag:$0x2], $0x3C00, $0x38;
	[tilespmem:$0x1EC00] =	vst v63  }
0x58: {  	_ =	swait.ge [sflag:s22], $0x4000  }
0x59: {  	[sflag:s22] =	ssyncset.done $0x0  }
0x5a: {  	[sflag:s22] =	ssyncadd.s32 $0xFFFFC000  }
0x5b: {  	_ =	swait.ge [sflag:s22], $0x4000  }
0x5c: {  	[sflag:s22] =	ssyncset.done $0x0  }
0x5d: {  	[sflag:s22] =	ssyncadd.s32 $0xFFFFC000  }
0x5e: {  	_ =	swait.ge [sflag:s22], $0x4000  }
0x5f: {  	[sflag:s22] =	ssyncset.done $0x0  }
0x60: {  	[sflag:s22] =	ssyncadd.s32 $0xFFFFC000  }
0x61: {  	_ =	swait.ge [sflag:s22], $0x4000  }
0x62: {  	[sflag:s22] =	ssyncset.done $0x0  }
0x63: {  	[sflag:s22] =	ssyncadd.s32 $0xFFFFC000  }
.Ltmp3:
0x64: {  	_ =	swait.ge [sflag:s23], $0x3C00;
	(pc) =	sbr.rel .LBB2_4-.Ltmp3, $4  }
0x65: {  	[sflag:s23] =	ssyncset.done $0x0  }
0x66: {  	[sflag:s23] =	ssyncadd.s32 $0xFFFFC400  }
0x67: {  	p3 =	por $0x1, $0x1;
	s20 =	simm.s32 $0x0;
	[bflag:$0x0] =	sbarrier.arrive $0xFFFF  }
0x68: {  	[tilespmem:s21], [sflag:$0x1] =	stream.indirect.gather [hbm4b:s1+s26], $0x80, s20, s26, $0xb8;
	[tilespmem:$0x1EC00] =	vst v63  }
.LBB2_6:
0x69: {  	s3 =	smul.u32 $0xC00, s20;
	_ =	sdelay $0x1  }
0x6a: {  	s3 =	sshrl.u32 s3, $0x3  }
0x6b: {  	s3 =	sadd.s32 s2, s3  }
0x6c: {  	s30 =	sadd.s32 $0x300, s3  }
0x6d: {  	[tilespmem:s5], [sflag:$0x3] =	stream.linear.gather [hbm4b:s30+s5], $0xA00, $0x38;
	[tilespmem:$0x1EC00] =	vst v63  }
0x6e: {  	s3 =	sadd.s32 $0xBE80, s3  }
0x6f: {  	[tilespmem:s19], [sflag:$0x3] =	stream.linear.gather [hbm4b:s3+s5], $0xA00, $0x38;
	[tilespmem:$0x1EC00] =	vst v63  }
.LBB2_8:
0x70: {  	s3 =	simm.s32 $0x1880  }
0x71: {  	[tilespmem:s28], [sflag:$0x2] =	stream.indirect.gather [hbm4b:s1+s26], $0x80, s3, s26, $0xb8;
	[tilespmem:$0x1EC00] =	vst v63  }
0x72: {  	_ =	swait.ge [sflag:s22], $0x4000  }
0x73: {  	[sflag:s22] =	ssyncset.done $0x0  }
0x74: {  	s30 =	simm.s32 $0x2400;
	[sflag:s22] =	ssyncadd.s32 $0xFFFFC000  }
0x75: {  	[spmem:s4] =	stream.indirect.scatter.add.f32 [tilespmem:s21], [sflag:$0x5], $0x80, s30, s26, $0xb8;
	[tilespmem:$0x1EC00] =	vst v63  }
0x76: {  	_ =	swait.ge [sflag:s29], $0x4000  }
0x77: {  	[sflag:s29] =	ssyncset.done $0x0  }
0x78: {  	s31 =	simm.s32 $0x1900;
	[sflag:s29] =	ssyncadd.s32 $0xFFFFC000  }
0x79: {  	[tilespmem:s21], [sflag:$0x1] =	stream.indirect.gather [hbm4b:s1+s26], $0x80, s31, s26, $0xb8;
	[tilespmem:$0x1EC00] =	vst v63  }
0x7a: {  	_ =	swait.ge [sflag:s23], $0x4000  }
0x7b: {  	[sflag:s23] =	ssyncset.done $0x0  }
0x7c: {  	s30 =	simm.s32 $0x2480;
	[sflag:s23] =	ssyncadd.s32 $0xFFFFC000  }
0x7d: {  	[spmem:s4] =	stream.indirect.scatter.add.f32 [tilespmem:s28], [sflag:$0x5], $0x80, s30, s26, $0xb8;
	[tilespmem:$0x1EC00] =	vst v63  }
0x7e: {  	_ =	swait.ge [sflag:s29], $0x4000  }
0x7f: {  	[sflag:s29] =	ssyncset.done $0x0  }
0x80: {  	s31 =	simm.s32 $0x1980;
	[sflag:s29] =	ssyncadd.s32 $0xFFFFC000  }
0x81: {  	[tilespmem:s28], [sflag:$0x2] =	stream.indirect.gather [hbm4b:s1+s26], $0x80, s31, s26, $0xb8;
	[tilespmem:$0x1EC00] =	vst v63  }
0x82: {  	_ =	swait.ge [sflag:s22], $0x4000  }
0x83: {  	[sflag:s22] =	ssyncset.done $0x0  }
0x84: {  	s30 =	simm.s32 $0x2500;
	[sflag:s22] =	ssyncadd.s32 $0xFFFFC000  }
0x85: {  	[spmem:s4] =	stream.indirect.scatter.add.f32 [tilespmem:s21], [sflag:$0x5], $0x80, s30, s26, $0xb8;
	[tilespmem:$0x1EC00] =	vst v63  }
0x86: {  	_ =	swait.ge [sflag:s29], $0x4000  }
0x87: {  	[sflag:s29] =	ssyncset.done $0x0  }
0x88: {  	s31 =	simm.s32 $0x1A00;
	[sflag:s29] =	ssyncadd.s32 $0xFFFFC000  }
0x89: {  	[tilespmem:s21], [sflag:$0x1] =	stream.indirect.gather [hbm4b:s1+s26], $0x80, s31, s26, $0xb8;
	[tilespmem:$0x1EC00] =	vst v63  }
0x8a: {  	_ =	swait.ge [sflag:s23], $0x4000  }
0x8b: {  	[sflag:s23] =	ssyncset.done $0x0  }
0x8c: {  	s30 =	simm.s32 $0x2580;
	[sflag:s23] =	ssyncadd.s32 $0xFFFFC000  }
0x8d: {  	[spmem:s4] =	stream.indirect.scatter.add.f32 [tilespmem:s28], [sflag:$0x5], $0x80, s30, s26, $0xb8;
	[tilespmem:$0x1EC00] =	vst v63  }
0x8e: {  	_ =	swait.ge [sflag:s29], $0x4000  }
0x8f: {  	[sflag:s29] =	ssyncset.done $0x0  }
0x90: {  	s31 =	simm.s32 $0x1A80;
	[sflag:s29] =	ssyncadd.s32 $0xFFFFC000  }
0x91: {  	[tilespmem:s28], [sflag:$0x2] =	stream.indirect.gather [hbm4b:s1+s26], $0x80, s31, s26, $0xb8;
	[tilespmem:$0x1EC00] =	vst v63  }
0x92: {  	_ =	swait.ge [sflag:s22], $0x4000  }
0x93: {  	[sflag:s22] =	ssyncset.done $0x0  }
0x94: {  	s30 =	simm.s32 $0x2600;
	[sflag:s22] =	ssyncadd.s32 $0xFFFFC000  }
0x95: {  	[spmem:s4] =	stream.indirect.scatter.add.f32 [tilespmem:s21], [sflag:$0x5], $0x80, s30, s26, $0xb8;
	[tilespmem:$0x1EC00] =	vst v63  }
0x96: {  	_ =	swait.ge [sflag:s29], $0x4000  }
0x97: {  	[sflag:s29] =	ssyncset.done $0x0  }
0x98: {  	s31 =	simm.s32 $0x1B00;
	[sflag:s29] =	ssyncadd.s32 $0xFFFFC000  }
0x99: {  	[tilespmem:s21], [sflag:$0x1] =	stream.indirect.gather [hbm4b:s1+s26], $0x80, s31, s26, $0xb8;
	[tilespmem:$0x1EC00] =	vst v63  }
0x9a: {  	_ =	swait.ge [sflag:s23], $0x4000  }
0x9b: {  	[sflag:s23] =	ssyncset.done $0x0  }
0x9c: {  	s30 =	simm.s32 $0x2680;
	[sflag:s23] =	ssyncadd.s32 $0xFFFFC000  }
0x9d: {  	[spmem:s4] =	stream.indirect.scatter.add.f32 [tilespmem:s28], [sflag:$0x5], $0x80, s30, s26, $0xb8;
	[tilespmem:$0x1EC00] =	vst v63  }
0x9e: {  	_ =	swait.ge [sflag:s29], $0x4000  }
0x9f: {  	[sflag:s29] =	ssyncset.done $0x0  }
0xa0: {  	s31 =	simm.s32 $0x1B80;
	[sflag:s29] =	ssyncadd.s32 $0xFFFFC000  }
0xa1: {  	[tilespmem:s28], [sflag:$0x2] =	stream.indirect.gather [hbm4b:s1+s26], $0x80, s31, s26, $0xb8;
	[tilespmem:$0x1EC00] =	vst v63  }
0xa2: {  	_ =	swait.ge [sflag:s22], $0x4000  }
0xa3: {  	[sflag:s22] =	ssyncset.done $0x0  }
0xa4: {  	s30 =	simm.s32 $0x2700;
	[sflag:s22] =	ssyncadd.s32 $0xFFFFC000  }
0xa5: {  	[spmem:s4] =	stream.indirect.scatter.add.f32 [tilespmem:s21], [sflag:$0x5], $0x80, s30, s26, $0xb8;
	[tilespmem:$0x1EC00] =	vst v63  }
0xa6: {  	_ =	swait.ge [sflag:s29], $0x4000  }
0xa7: {  	[sflag:s29] =	ssyncset.done $0x0  }
0xa8: {  	s31 =	simm.s32 $0x1C00;
	[sflag:s29] =	ssyncadd.s32 $0xFFFFC000  }
0xa9: {  	[tilespmem:s21], [sflag:$0x1] =	stream.indirect.gather [hbm4b:s1+s26], $0x80, s31, s26, $0xb8;
	[tilespmem:$0x1EC00] =	vst v63  }
0xaa: {  	_ =	swait.ge [sflag:s23], $0x4000  }
0xab: {  	[sflag:s23] =	ssyncset.done $0x0  }
0xac: {  	s30 =	simm.s32 $0x2780;
	[sflag:s23] =	ssyncadd.s32 $0xFFFFC000  }
0xad: {  	[spmem:s4] =	stream.indirect.scatter.add.f32 [tilespmem:s28], [sflag:$0x5], $0x80, s30, s26, $0xb8;
	[tilespmem:$0x1EC00] =	vst v63  }
0xae: {  	_ =	swait.ge [sflag:s29], $0x4000  }
0xaf: {  	[sflag:s29] =	ssyncset.done $0x0  }
0xb0: {  	s31 =	simm.s32 $0x1C80;
	[sflag:s29] =	ssyncadd.s32 $0xFFFFC000  }
0xb1: {  	[tilespmem:s28], [sflag:$0x2] =	stream.indirect.gather [hbm4b:s1+s26], $0x80, s31, s26, $0xb8;
	[tilespmem:$0x1EC00] =	vst v63  }
0xb2: {  	_ =	swait.ge [sflag:s22], $0x4000  }
0xb3: {  	[sflag:s22] =	ssyncset.done $0x0  }
0xb4: {  	s30 =	simm.s32 $0x2800;
	[sflag:s22] =	ssyncadd.s32 $0xFFFFC000  }
0xb5: {  	[spmem:s4] =	stream.indirect.scatter.add.f32 [tilespmem:s21], [sflag:$0x5], $0x80, s30, s26, $0xb8;
	[tilespmem:$0x1EC00] =	vst v63  }
0xb6: {  	_ =	swait.ge [sflag:s29], $0x4000  }
0xb7: {  	[sflag:s29] =	ssyncset.done $0x0  }
0xb8: {  	s31 =	simm.s32 $0x1D00;
	[sflag:s29] =	ssyncadd.s32 $0xFFFFC000  }
0xb9: {  	[tilespmem:s21], [sflag:$0x1] =	stream.indirect.gather [hbm4b:s1+s26], $0x80, s31, s26, $0xb8;
	[tilespmem:$0x1EC00] =	vst v63  }
0xba: {  	_ =	swait.ge [sflag:s23], $0x4000  }
0xbb: {  	[sflag:s23] =	ssyncset.done $0x0  }
0xbc: {  	s30 =	simm.s32 $0x2880;
	[sflag:s23] =	ssyncadd.s32 $0xFFFFC000  }
0xbd: {  	[spmem:s4] =	stream.indirect.scatter.add.f32 [tilespmem:s28], [sflag:$0x5], $0x80, s30, s26, $0xb8;
	[tilespmem:$0x1EC00] =	vst v63  }
0xbe: {  	_ =	swait.ge [sflag:s29], $0x4000  }
0xbf: {  	[sflag:s29] =	ssyncset.done $0x0  }
0xc0: {  	s31 =	simm.s32 $0x1D80;
	[sflag:s29] =	ssyncadd.s32 $0xFFFFC000  }
0xc1: {  	[tilespmem:s28], [sflag:$0x2] =	stream.indirect.gather [hbm4b:s1+s26], $0x80, s31, s26, $0xb8;
	[tilespmem:$0x1EC00] =	vst v63  }
0xc2: {  	_ =	swait.ge [sflag:s22], $0x4000  }
0xc3: {  	[sflag:s22] =	ssyncset.done $0x0  }
0xc4: {  	s30 =	simm.s32 $0x2900;
	[sflag:s22] =	ssyncadd.s32 $0xFFFFC000  }
0xc5: {  	[spmem:s4] =	stream.indirect.scatter.add.f32 [tilespmem:s21], [sflag:$0x5], $0x80, s30, s26, $0xb8;
	[tilespmem:$0x1EC00] =	vst v63  }
0xc6: {  	_ =	swait.ge [sflag:s29], $0x4000  }
0xc7: {  	[sflag:s29] =	ssyncset.done $0x0  }
0xc8: {  	s31 =	simm.s32 $0x1E00;
	[sflag:s29] =	ssyncadd.s32 $0xFFFFC000  }
0xc9: {  	[tilespmem:s21], [sflag:$0x1] =	stream.indirect.gather [hbm4b:s1+s26], $0x80, s31, s26, $0xb8;
	[tilespmem:$0x1EC00] =	vst v63  }
0xca: {  	_ =	swait.ge [sflag:s23], $0x4000  }
0xcb: {  	[sflag:s23] =	ssyncset.done $0x0  }
0xcc: {  	s30 =	simm.s32 $0x2980;
	[sflag:s23] =	ssyncadd.s32 $0xFFFFC000  }
0xcd: {  	[spmem:s4] =	stream.indirect.scatter.add.f32 [tilespmem:s28], [sflag:$0x5], $0x80, s30, s26, $0xb8;
	[tilespmem:$0x1EC00] =	vst v63  }
0xce: {  	_ =	swait.ge [sflag:s29], $0x4000  }
0xcf: {  	[sflag:s29] =	ssyncset.done $0x0  }
0xd0: {  	s31 =	simm.s32 $0x1E80;
	[sflag:s29] =	ssyncadd.s32 $0xFFFFC000  }
0xd1: {  	[tilespmem:s28], [sflag:$0x2] =	stream.indirect.gather [hbm4b:s1+s26], $0x80, s31, s26, $0xb8;
	[tilespmem:$0x1EC00] =	vst v63  }
0xd2: {  	_ =	swait.ge [sflag:s22], $0x4000  }
0xd3: {  	[sflag:s22] =	ssyncset.done $0x0  }
0xd4: {  	s30 =	simm.s32 $0x2A00;
	[sflag:s22] =	ssyncadd.s32 $0xFFFFC000  }
0xd5: {  	[spmem:s4] =	stream.indirect.scatter.add.f32 [tilespmem:s21], [sflag:$0x5], $0x80, s30, s26, $0xb8;
	[tilespmem:$0x1EC00] =	vst v63  }
0xd6: {  	_ =	swait.ge [sflag:s29], $0x4000  }
0xd7: {  	[sflag:s29] =	ssyncset.done $0x0  }
0xd8: {  	s31 =	simm.s32 $0x1F00;
	[sflag:s29] =	ssyncadd.s32 $0xFFFFC000  }
0xd9: {  	[tilespmem:s21], [sflag:$0x1] =	stream.indirect.gather [hbm4b:s1+s26], $0x80, s31, s26, $0xb8;
	[tilespmem:$0x1EC00] =	vst v63  }
0xda: {  	_ =	swait.ge [sflag:s23], $0x4000  }
0xdb: {  	[sflag:s23] =	ssyncset.done $0x0  }
0xdc: {  	s30 =	simm.s32 $0x2A80;
	[sflag:s23] =	ssyncadd.s32 $0xFFFFC000  }
0xdd: {  	[spmem:s4] =	stream.indirect.scatter.add.f32 [tilespmem:s28], [sflag:$0x5], $0x80, s30, s26, $0xb8;
	[tilespmem:$0x1EC00] =	vst v63  }
0xde: {  	_ =	swait.ge [sflag:s29], $0x4000  }
0xdf: {  	[sflag:s29] =	ssyncset.done $0x0  }
0xe0: {  	s31 =	simm.s32 $0x1F80;
	[sflag:s29] =	ssyncadd.s32 $0xFFFFC000  }
0xe1: {  	[tilespmem:s28], [sflag:$0x2] =	stream.indirect.gather [hbm4b:s1+s26], $0x80, s31, s26, $0xb8;
	[tilespmem:$0x1EC00] =	vst v63  }
0xe2: {  	_ =	swait.ge [sflag:s22], $0x4000  }
0xe3: {  	[sflag:s22] =	ssyncset.done $0x0  }
0xe4: {  	s30 =	simm.s32 $0x2B00;
	[sflag:s22] =	ssyncadd.s32 $0xFFFFC000  }
0xe5: {  	[spmem:s4] =	stream.indirect.scatter.add.f32 [tilespmem:s21], [sflag:$0x5], $0x80, s30, s26, $0xb8;
	[tilespmem:$0x1EC00] =	vst v63  }
0xe6: {  	_ =	swait.ge [sflag:s29], $0x4000  }
0xe7: {  	[sflag:s29] =	ssyncset.done $0x0  }
0xe8: {  	s31 =	simm.s32 $0x2000;
	[sflag:s29] =	ssyncadd.s32 $0xFFFFC000  }
0xe9: {  	[tilespmem:s21], [sflag:$0x1] =	stream.indirect.gather [hbm4b:s1+s26], $0x80, s31, s26, $0xb8;
	[tilespmem:$0x1EC00] =	vst v63  }
0xea: {  	_ =	swait.ge [sflag:s23], $0x4000  }
0xeb: {  	[sflag:s23] =	ssyncset.done $0x0  }
0xec: {  	s30 =	simm.s32 $0x2B80;
	[sflag:s23] =	ssyncadd.s32 $0xFFFFC000  }
0xed: {  	[spmem:s4] =	stream.indirect.scatter.add.f32 [tilespmem:s28], [sflag:$0x5], $0x80, s30, s26, $0xb8;
	[tilespmem:$0x1EC00] =	vst v63  }
0xee: {  	_ =	swait.ge [sflag:s29], $0x4000  }
0xef: {  	[sflag:s29] =	ssyncset.done $0x0  }
0xf0: {  	s31 =	simm.s32 $0x2080;
	[sflag:s29] =	ssyncadd.s32 $0xFFFFC000  }
0xf1: {  	[tilespmem:s28], [sflag:$0x2] =	stream.indirect.gather [hbm4b:s1+s26], $0x80, s31, s26, $0xb8;
	[tilespmem:$0x1EC00] =	vst v63  }
0xf2: {  	_ =	swait.ge [sflag:s22], $0x4000  }
0xf3: {  	[sflag:s22] =	ssyncset.done $0x0  }
0xf4: {  	s30 =	simm.s32 $0x2C00;
	[sflag:s22] =	ssyncadd.s32 $0xFFFFC000  }
0xf5: {  	[spmem:s4] =	stream.indirect.scatter.add.f32 [tilespmem:s21], [sflag:$0x5], $0x80, s30, s26, $0xb8;
	[tilespmem:$0x1EC00] =	vst v63  }
0xf6: {  	_ =	swait.ge [sflag:s29], $0x4000  }
0xf7: {  	[sflag:s29] =	ssyncset.done $0x0  }
0xf8: {  	s31 =	simm.s32 $0x2100;
	[sflag:s29] =	ssyncadd.s32 $0xFFFFC000  }
0xf9: {  	[tilespmem:s21], [sflag:$0x1] =	stream.indirect.gather [hbm4b:s1+s26], $0x80, s31, s26, $0xb8;
	[tilespmem:$0x1EC00] =	vst v63  }
0xfa: {  	_ =	swait.ge [sflag:s23], $0x4000  }
0xfb: {  	[sflag:s23] =	ssyncset.done $0x0  }
0xfc: {  	s30 =	simm.s32 $0x2C80;
	[sflag:s23] =	ssyncadd.s32 $0xFFFFC000  }
0xfd: {  	[spmem:s4] =	stream.indirect.scatter.add.f32 [tilespmem:s28], [sflag:$0x5], $0x80, s30, s26, $0xb8;
	[tilespmem:$0x1EC00] =	vst v63  }
0xfe: {  	_ =	swait.ge [sflag:s29], $0x4000  }
0xff: {  	[sflag:s29] =	ssyncset.done $0x0  }
0x100: {  	s31 =	simm.s32 $0x2180;
	[sflag:s29] =	ssyncadd.s32 $0xFFFFC000  }
0x101: {  	[tilespmem:s28], [sflag:$0x2] =	stream.indirect.gather [hbm4b:s1+s26], $0x80, s31, s26, $0xb8;
	[tilespmem:$0x1EC00] =	vst v63  }
0x102: {  	_ =	swait.ge [sflag:s22], $0x4000  }
0x103: {  	[sflag:s22] =	ssyncset.done $0x0  }
0x104: {  	s30 =	simm.s32 $0x2D00;
	[sflag:s22] =	ssyncadd.s32 $0xFFFFC000  }
0x105: {  	[spmem:s4] =	stream.indirect.scatter.add.f32 [tilespmem:s21], [sflag:$0x5], $0x80, s30, s26, $0xb8;
	[tilespmem:$0x1EC00] =	vst v63  }
0x106: {  	_ =	swait.ge [sflag:s29], $0x4000  }
0x107: {  	[sflag:s29] =	ssyncset.done $0x0  }
0x108: {  	s3 =	simm.s32 @p3 $0x3;
	[sflag:s29] =	ssyncadd.s32 $0xFFFFC000  }
0x109: {  	_ =	swait.ge @p3 [sflag:s3], $0xA00  }
0x10a: {  	[sflag:s3] =	ssyncset.done @p3 $0x0  }
0x10b: {  	[sflag:s3] =	ssyncadd.s32 @p3 $0xFFFFF600  }
0x10c: {  	_ =	swait.ge @p3 [sflag:s3], $0xA00  }
0x10d: {  	s31 =	simm.s32 @p3 $0x3000;
	[sflag:s3] =	ssyncset.done @p3 $0x0  }
0x10e: {  	s30 =	simm.s32 @p3 $0x0;
	[sflag:s3] =	ssyncadd.s32 @p3 $0xFFFFF600;
	s3 =	simm.s32 @p3 $0x80  }
0x10f: {  	[tilespmem:s31], [sflag:$0x1] =	stream.indirect.gather @p3 [hbm4b:s1+s3], $0x80, s30, s3, $0xb8;
	[tilespmem:$0x1EC00] =	vst v63  }
0x110: {  	p6 =	sgt.u32 s20, $0x79;
	p4 =	por !p2, !p2;
	_ =	swait.ge [sflag:s23], $0x4000  }
0x111: {  	p3 =	por p4, p6;
	[sflag:s23] =	ssyncset.done $0x0  }
0x112: {  	s31 =	simm.s32 $0x2D80;
	s3 =	smul.u32 @!p3 $0xC00, s20;
	[sflag:s23] =	ssyncadd.s32 $0xFFFFC000  }
0x113: {  	[spmem:s4] =	stream.indirect.scatter.add.f32 [tilespmem:s28], [sflag:$0x5], $0x80, s31, s26, $0xb8;
	[tilespmem:$0x1EC00] =	vst v63  }
0x114: {  	s3 =	sshrl.u32 @!p3 s3, $0x3;
	_ =	swait.ge [sflag:s29], $0x4000  }
0x115: {  	s30 =	simm.s32 @!p3 $0x0;
	s3 =	sadd.s32 @!p3 s2, s3;
	[sflag:s29] =	ssyncset.done $0x0  }
0x116: {  	s31 =	simm.s32 @!p3 $0x1800;
	s20 =	sadd.s32 @!p3 $0x480, s3;
	[sflag:s29] =	ssyncadd.s32 $0xFFFFC000  }
0x117: {  	[tilespmem:s31], [sflag:$0x4] =	stream.linear.gather @!p3 [hbm4b:s20+s30], $0xA00, $0x38;
	[tilespmem:$0x1EC00] =	vst v63  }
0x118: {  	s3 =	sadd.s32 @!p3 $0xC000, s3;
	s20 =	simm.s32 @!p3 $0x2400  }
0x119: {  	[tilespmem:s20], [sflag:$0x4] =	stream.linear.gather @!p3 [hbm4b:s3+s30], $0xA00, $0x38;
	[tilespmem:$0x1EC00] =	vst v63  }
.LBB2_9:
.Ltmp4:
0x11a: {  	(pc) =	sbr.rel @!p2 .LBB2_10-.Ltmp4, $2  }
0x11b: {  	_ =	sdelay $0x2  }
0x11c: {  	s20 =	simm.s32 $0x2;
	p3 =	por $0x0, $0x0  }
.LBB2_4:
0x11d: {  	s20 =	sor.u32 s6, s20  }
0x11e: {  	p4 =	sgt.u32 s20, $0x7C  }
.Ltmp5:
0x11f: {  	_ = 	snop;
	(pc) =	sbr.rel @p4 .LBB2_9-.Ltmp5, $2  }
0x120: {  	_ =	sdelay $0x2  }
0x121: {  	p2 =	por p3, p3  }
0x122: {  	[tilespmem:s28], [sflag:$0x2] =	stream.indirect.gather [hbm4b:s1+s26], $0x80, s26, s26, $0xb8;
	[tilespmem:$0x1EC00] =	vst v63  }
0x123: {  	_ =	swait.ge [sflag:s22], $0x4000  }
0x124: {  	[sflag:s22] =	ssyncset.done $0x0  }
0x125: {  	[sflag:s22] =	ssyncadd.s32 $0xFFFFC000  }
0x126: {  	[spmem:s4] =	stream.indirect.scatter.add.f32 [tilespmem:s21], [sflag:$0x5], $0x80, s19, s26, $0xb8;
	[tilespmem:$0x1EC00] =	vst v63  }
0x127: {  	_ =	swait.ge [sflag:s29], $0x4000  }
0x128: {  	[sflag:s29] =	ssyncset.done $0x0  }
0x129: {  	s3 =	simm.s32 $0x100;
	[sflag:s29] =	ssyncadd.s32 $0xFFFFC000  }
0x12a: {  	[tilespmem:s21], [sflag:$0x1] =	stream.indirect.gather [hbm4b:s1+s26], $0x80, s3, s26, $0xb8;
	[tilespmem:$0x1EC00] =	vst v63  }
0x12b: {  	_ =	swait.ge [sflag:s23], $0x4000  }
0x12c: {  	[sflag:s23] =	ssyncset.done $0x0  }
0x12d: {  	s31 =	simm.s32 $0xC80;
	[sflag:s23] =	ssyncadd.s32 $0xFFFFC000  }
0x12e: {  	[spmem:s4] =	stream.indirect.scatter.add.f32 [tilespmem:s28], [sflag:$0x5], $0x80, s31, s26, $0xb8;
	[tilespmem:$0x1EC00] =	vst v63  }
0x12f: {  	_ =	swait.ge [sflag:s29], $0x4000  }
0x130: {  	[sflag:s29] =	ssyncset.done $0x0  }
0x131: {  	s30 =	simm.s32 $0x180;
	[sflag:s29] =	ssyncadd.s32 $0xFFFFC000  }
0x132: {  	[tilespmem:s28], [sflag:$0x2] =	stream.indirect.gather [hbm4b:s1+s26], $0x80, s30, s26, $0xb8;
	[tilespmem:$0x1EC00] =	vst v63  }
0x133: {  	_ =	swait.ge [sflag:s22], $0x4000  }
0x134: {  	[sflag:s22] =	ssyncset.done $0x0  }
0x135: {  	s31 =	simm.s32 $0xD00;
	[sflag:s22] =	ssyncadd.s32 $0xFFFFC000  }
0x136: {  	[spmem:s4] =	stream.indirect.scatter.add.f32 [tilespmem:s21], [sflag:$0x5], $0x80, s31, s26, $0xb8;
	[tilespmem:$0x1EC00] =	vst v63  }
0x137: {  	_ =	swait.ge [sflag:s29], $0x4000  }
0x138: {  	[sflag:s29] =	ssyncset.done $0x0  }
0x139: {  	s30 =	simm.s32 $0x200;
	[sflag:s29] =	ssyncadd.s32 $0xFFFFC000  }
0x13a: {  	[tilespmem:s21], [sflag:$0x1] =	stream.indirect.gather [hbm4b:s1+s26], $0x80, s30, s26, $0xb8;
	[tilespmem:$0x1EC00] =	vst v63  }
0x13b: {  	_ =	swait.ge [sflag:s23], $0x4000  }
0x13c: {  	[sflag:s23] =	ssyncset.done $0x0  }
0x13d: {  	s31 =	simm.s32 $0xD80;
	[sflag:s23] =	ssyncadd.s32 $0xFFFFC000  }
0x13e: {  	[spmem:s4] =	stream.indirect.scatter.add.f32 [tilespmem:s28], [sflag:$0x5], $0x80, s31, s26, $0xb8;
	[tilespmem:$0x1EC00] =	vst v63  }
0x13f: {  	_ =	swait.ge [sflag:s29], $0x4000  }
0x140: {  	[sflag:s29] =	ssyncset.done $0x0  }
0x141: {  	s30 =	simm.s32 $0x280;
	[sflag:s29] =	ssyncadd.s32 $0xFFFFC000  }
0x142: {  	[tilespmem:s28], [sflag:$0x2] =	stream.indirect.gather [hbm4b:s1+s26], $0x80, s30, s26, $0xb8;
	[tilespmem:$0x1EC00] =	vst v63  }
0x143: {  	_ =	swait.ge [sflag:s22], $0x4000  }
0x144: {  	[sflag:s22] =	ssyncset.done $0x0  }
0x145: {  	s31 =	simm.s32 $0xE00;
	[sflag:s22] =	ssyncadd.s32 $0xFFFFC000  }
0x146: {  	[spmem:s4] =	stream.indirect.scatter.add.f32 [tilespmem:s21], [sflag:$0x5], $0x80, s31, s26, $0xb8;
	[tilespmem:$0x1EC00] =	vst v63  }
0x147: {  	_ =	swait.ge [sflag:s29], $0x4000  }
0x148: {  	[sflag:s29] =	ssyncset.done $0x0  }
0x149: {  	s30 =	simm.s32 $0x300;
	[sflag:s29] =	ssyncadd.s32 $0xFFFFC000  }
0x14a: {  	[tilespmem:s21], [sflag:$0x1] =	stream.indirect.gather [hbm4b:s1+s26], $0x80, s30, s26, $0xb8;
	[tilespmem:$0x1EC00] =	vst v63  }
0x14b: {  	_ =	swait.ge [sflag:s23], $0x4000  }
0x14c: {  	[sflag:s23] =	ssyncset.done $0x0  }
0x14d: {  	s31 =	simm.s32 $0xE80;
	[sflag:s23] =	ssyncadd.s32 $0xFFFFC000  }
0x14e: {  	[spmem:s4] =	stream.indirect.scatter.add.f32 [tilespmem:s28], [sflag:$0x5], $0x80, s31, s26, $0xb8;
	[tilespmem:$0x1EC00] =	vst v63  }
0x14f: {  	_ =	swait.ge [sflag:s29], $0x4000  }
0x150: {  	[sflag:s29] =	ssyncset.done $0x0  }
0x151: {  	s30 =	simm.s32 $0x380;
	[sflag:s29] =	ssyncadd.s32 $0xFFFFC000  }
0x152: {  	[tilespmem:s28], [sflag:$0x2] =	stream.indirect.gather [hbm4b:s1+s26], $0x80, s30, s26, $0xb8;
	[tilespmem:$0x1EC00] =	vst v63  }
0x153: {  	_ =	swait.ge [sflag:s22], $0x4000  }
0x154: {  	[sflag:s22] =	ssyncset.done $0x0  }
0x155: {  	s31 =	simm.s32 $0xF00;
	[sflag:s22] =	ssyncadd.s32 $0xFFFFC000  }
0x156: {  	[spmem:s4] =	stream.indirect.scatter.add.f32 [tilespmem:s21], [sflag:$0x5], $0x80, s31, s26, $0xb8;
	[tilespmem:$0x1EC00] =	vst v63  }
0x157: {  	_ =	swait.ge [sflag:s29], $0x4000  }
0x158: {  	[sflag:s29] =	ssyncset.done $0x0  }
0x159: {  	s30 =	simm.s32 $0x400;
	[sflag:s29] =	ssyncadd.s32 $0xFFFFC000  }
0x15a: {  	[tilespmem:s21], [sflag:$0x1] =	stream.indirect.gather [hbm4b:s1+s26], $0x80, s30, s26, $0xb8;
	[tilespmem:$0x1EC00] =	vst v63  }
0x15b: {  	_ =	swait.ge [sflag:s23], $0x4000  }
0x15c: {  	[sflag:s23] =	ssyncset.done $0x0  }
0x15d: {  	s31 =	simm.s32 $0xF80;
	[sflag:s23] =	ssyncadd.s32 $0xFFFFC000  }
0x15e: {  	[spmem:s4] =	stream.indirect.scatter.add.f32 [tilespmem:s28], [sflag:$0x5], $0x80, s31, s26, $0xb8;
	[tilespmem:$0x1EC00] =	vst v63  }
0x15f: {  	_ =	swait.ge [sflag:s29], $0x4000  }
0x160: {  	[sflag:s29] =	ssyncset.done $0x0  }
0x161: {  	s30 =	simm.s32 $0x480;
	[sflag:s29] =	ssyncadd.s32 $0xFFFFC000  }
0x162: {  	[tilespmem:s28], [sflag:$0x2] =	stream.indirect.gather [hbm4b:s1+s26], $0x80, s30, s26, $0xb8;
	[tilespmem:$0x1EC00] =	vst v63  }
0x163: {  	_ =	swait.ge [sflag:s22], $0x4000  }
0x164: {  	[sflag:s22] =	ssyncset.done $0x0  }
0x165: {  	s31 =	simm.s32 $0x1000;
	[sflag:s22] =	ssyncadd.s32 $0xFFFFC000  }
0x166: {  	[spmem:s4] =	stream.indirect.scatter.add.f32 [tilespmem:s21], [sflag:$0x5], $0x80, s31, s26, $0xb8;
	[tilespmem:$0x1EC00] =	vst v63  }
0x167: {  	_ =	swait.ge [sflag:s29], $0x4000  }
0x168: {  	[sflag:s29] =	ssyncset.done $0x0  }
0x169: {  	s30 =	simm.s32 $0x500;
	[sflag:s29] =	ssyncadd.s32 $0xFFFFC000  }
0x16a: {  	[tilespmem:s21], [sflag:$0x1] =	stream.indirect.gather [hbm4b:s1+s26], $0x80, s30, s26, $0xb8;
	[tilespmem:$0x1EC00] =	vst v63  }
0x16b: {  	_ =	swait.ge [sflag:s23], $0x4000  }
0x16c: {  	[sflag:s23] =	ssyncset.done $0x0  }
0x16d: {  	s31 =	simm.s32 $0x1080;
	[sflag:s23] =	ssyncadd.s32 $0xFFFFC000  }
0x16e: {  	[spmem:s4] =	stream.indirect.scatter.add.f32 [tilespmem:s28], [sflag:$0x5], $0x80, s31, s26, $0xb8;
	[tilespmem:$0x1EC00] =	vst v63  }
0x16f: {  	_ =	swait.ge [sflag:s29], $0x4000  }
0x170: {  	[sflag:s29] =	ssyncset.done $0x0  }
0x171: {  	s30 =	simm.s32 $0x580;
	[sflag:s29] =	ssyncadd.s32 $0xFFFFC000  }
0x172: {  	[tilespmem:s28], [sflag:$0x2] =	stream.indirect.gather [hbm4b:s1+s26], $0x80, s30, s26, $0xb8;
	[tilespmem:$0x1EC00] =	vst v63  }
0x173: {  	_ =	swait.ge [sflag:s22], $0x4000  }
0x174: {  	[sflag:s22] =	ssyncset.done $0x0  }
0x175: {  	s31 =	simm.s32 $0x1100;
	[sflag:s22] =	ssyncadd.s32 $0xFFFFC000  }
0x176: {  	[spmem:s4] =	stream.indirect.scatter.add.f32 [tilespmem:s21], [sflag:$0x5], $0x80, s31, s26, $0xb8;
	[tilespmem:$0x1EC00] =	vst v63  }
0x177: {  	_ =	swait.ge [sflag:s29], $0x4000  }
0x178: {  	[sflag:s29] =	ssyncset.done $0x0  }
0x179: {  	s30 =	simm.s32 $0x600;
	[sflag:s29] =	ssyncadd.s32 $0xFFFFC000  }
0x17a: {  	[tilespmem:s21], [sflag:$0x1] =	stream.indirect.gather [hbm4b:s1+s26], $0x80, s30, s26, $0xb8;
	[tilespmem:$0x1EC00] =	vst v63  }
0x17b: {  	_ =	swait.ge [sflag:s23], $0x4000  }
0x17c: {  	[sflag:s23] =	ssyncset.done $0x0  }
0x17d: {  	s31 =	simm.s32 $0x1180;
	[sflag:s23] =	ssyncadd.s32 $0xFFFFC000  }
0x17e: {  	[spmem:s4] =	stream.indirect.scatter.add.f32 [tilespmem:s28], [sflag:$0x5], $0x80, s31, s26, $0xb8;
	[tilespmem:$0x1EC00] =	vst v63  }
0x17f: {  	_ =	swait.ge [sflag:s29], $0x4000  }
0x180: {  	[sflag:s29] =	ssyncset.done $0x0  }
0x181: {  	[sflag:s29] =	ssyncadd.s32 $0xFFFFC000  }
0x182: {  	[tilespmem:s28], [sflag:$0x2] =	stream.indirect.gather [hbm4b:s1+s26], $0x80, s0, s26, $0xb8;
	[tilespmem:$0x1EC00] =	vst v63  }
0x183: {  	_ =	swait.ge [sflag:s22], $0x4000  }
0x184: {  	[sflag:s22] =	ssyncset.done $0x0  }
0x185: {  	[sflag:s22] =	ssyncadd.s32 $0xFFFFC000  }
0x186: {  	[spmem:s4] =	stream.indirect.scatter.add.f32 [tilespmem:s21], [sflag:$0x5], $0x80, s8, s26, $0xb8;
	[tilespmem:$0x1EC00] =	vst v63  }
0x187: {  	_ =	swait.ge [sflag:s29], $0x4000  }
0x188: {  	[sflag:s29] =	ssyncset.done $0x0  }
0x189: {  	[sflag:s29] =	ssyncadd.s32 $0xFFFFC000  }
0x18a: {  	[tilespmem:s21], [sflag:$0x1] =	stream.indirect.gather [hbm4b:s1+s26], $0x80, s9, s26, $0xb8;
	[tilespmem:$0x1EC00] =	vst v63  }
0x18b: {  	_ =	swait.ge [sflag:s23], $0x4000  }
0x18c: {  	[sflag:s23] =	ssyncset.done $0x0  }
0x18d: {  	[sflag:s23] =	ssyncadd.s32 $0xFFFFC000  }
0x18e: {  	[spmem:s4] =	stream.indirect.scatter.add.f32 [tilespmem:s28], [sflag:$0x5], $0x80, s11, s26, $0xb8;
	[tilespmem:$0x1EC00] =	vst v63  }
0x18f: {  	_ =	swait.ge [sflag:s29], $0x4000  }
0x190: {  	[sflag:s29] =	ssyncset.done $0x0  }
0x191: {  	[sflag:s29] =	ssyncadd.s32 $0xFFFFC000  }
0x192: {  	[tilespmem:s28], [sflag:$0x2] =	stream.indirect.gather [hbm4b:s1+s26], $0x80, s12, s26, $0xb8;
	[tilespmem:$0x1EC00] =	vst v63  }
0x193: {  	_ =	swait.ge [sflag:s22], $0x4000  }
0x194: {  	[sflag:s22] =	ssyncset.done $0x0  }
0x195: {  	[sflag:s22] =	ssyncadd.s32 $0xFFFFC000  }
0x196: {  	[spmem:s4] =	stream.indirect.scatter.add.f32 [tilespmem:s21], [sflag:$0x5], $0x80, s13, s26, $0xb8;
	[tilespmem:$0x1EC00] =	vst v63  }
0x197: {  	_ =	swait.ge [sflag:s29], $0x4000  }
0x198: {  	[sflag:s29] =	ssyncset.done $0x0  }
0x199: {  	[sflag:s29] =	ssyncadd.s32 $0xFFFFC000  }
0x19a: {  	[tilespmem:s21], [sflag:$0x1] =	stream.indirect.gather [hbm4b:s1+s26], $0x80, s14, s26, $0xb8;
	[tilespmem:$0x1EC00] =	vst v63  }
0x19b: {  	_ =	swait.ge [sflag:s23], $0x4000  }
0x19c: {  	[sflag:s23] =	ssyncset.done $0x0  }
0x19d: {  	[sflag:s23] =	ssyncadd.s32 $0xFFFFC000  }
0x19e: {  	[spmem:s4] =	stream.indirect.scatter.add.f32 [tilespmem:s28], [sflag:$0x5], $0x80, s15, s26, $0xb8;
	[tilespmem:$0x1EC00] =	vst v63  }
0x19f: {  	_ =	swait.ge [sflag:s29], $0x4000  }
0x1a0: {  	[sflag:s29] =	ssyncset.done $0x0  }
0x1a1: {  	[sflag:s29] =	ssyncadd.s32 $0xFFFFC000  }
0x1a2: {  	[tilespmem:s28], [sflag:$0x2] =	stream.indirect.gather [hbm4b:s1+s26], $0x80, s16, s26, $0xb8;
	[tilespmem:$0x1EC00] =	vst v63  }
0x1a3: {  	_ =	swait.ge [sflag:s22], $0x4000  }
0x1a4: {  	[sflag:s22] =	ssyncset.done $0x0  }
0x1a5: {  	[sflag:s22] =	ssyncadd.s32 $0xFFFFC000  }
0x1a6: {  	[spmem:s4] =	stream.indirect.scatter.add.f32 [tilespmem:s21], [sflag:$0x5], $0x80, s17, s26, $0xb8;
	[tilespmem:$0x1EC00] =	vst v63  }
0x1a7: {  	_ =	swait.ge [sflag:s29], $0x4000  }
0x1a8: {  	[sflag:s29] =	ssyncset.done $0x0  }
0x1a9: {  	[sflag:s29] =	ssyncadd.s32 $0xFFFFC000  }
0x1aa: {  	[tilespmem:s21], [sflag:$0x1] =	stream.indirect.gather [hbm4b:s1+s26], $0x80, s18, s26, $0xb8;
	[tilespmem:$0x1EC00] =	vst v63  }
0x1ab: {  	_ =	swait.ge [sflag:s23], $0x4000  }
0x1ac: {  	[sflag:s23] =	ssyncset.done $0x0  }
0x1ad: {  	[sflag:s23] =	ssyncadd.s32 $0xFFFFC000  }
0x1ae: {  	[spmem:s4] =	stream.indirect.scatter.add.f32 [tilespmem:s28], [sflag:$0x5], $0x80, s24, s26, $0xb8;
	[tilespmem:$0x1EC00] =	vst v63  }
0x1af: {  	_ =	swait.ge [sflag:s29], $0x4000  }
0x1b0: {  	[sflag:s29] =	ssyncset.done $0x0  }
0x1b1: {  	[sflag:s29] =	ssyncadd.s32 $0xFFFFC000  }
0x1b2: {  	[tilespmem:s28], [sflag:$0x2] =	stream.indirect.gather [hbm4b:s1+s26], $0x80, s25, s26, $0xb8;
	[tilespmem:$0x1EC00] =	vst v63  }
0x1b3: {  	_ =	swait.ge [sflag:s22], $0x4000  }
0x1b4: {  	[sflag:s22] =	ssyncset.done $0x0  }
0x1b5: {  	[sflag:s22] =	ssyncadd.s32 $0xFFFFC000  }
0x1b6: {  	[spmem:s4] =	stream.indirect.scatter.add.f32 [tilespmem:s21], [sflag:$0x5], $0x80, s7, s26, $0xb8;
	[tilespmem:$0x1EC00] =	vst v63  }
0x1b7: {  	_ =	swait.ge [sflag:s29], $0x4000  }
0x1b8: {  	p4 =	seq.s32 s20, $0x7C;
	[sflag:s29] =	ssyncset.done $0x0  }
0x1b9: {  	s30 =	simm.s32 @!p4 $0x4;
	[sflag:s29] =	ssyncadd.s32 $0xFFFFC000  }
0x1ba: {  	_ =	swait.ge @!p4 [sflag:s30], $0xA00  }
0x1bb: {  	[sflag:s30] =	ssyncset.done @!p4 $0x0  }
0x1bc: {  	[sflag:s30] =	ssyncadd.s32 @!p4 $0xFFFFF600  }
0x1bd: {  	_ =	swait.ge @!p4 [sflag:s30], $0xA00  }
0x1be: {  	p3 =	slt.u32 s20, $0x7B;
	s3 =	simm.s32 @!p4 $0x3000;
	[sflag:s30] =	ssyncset.done @!p4 $0x0  }
0x1bf: {  	s31 =	simm.s32 @!p4 $0x1800;
	[sflag:s30] =	ssyncadd.s32 @!p4 $0xFFFFF600;
	s30 =	simm.s32 @!p4 $0x80  }
0x1c0: {  	[tilespmem:s3], [sflag:$0x1] =	stream.indirect.gather @!p4 [hbm4b:s1+s30], $0x80, s31, s30, $0xb8;
	[tilespmem:$0x1EC00] =	vst v63  }
0x1c1: {  	p3 =	por !p2, !p3;
	_ =	swait.ge [sflag:s23], $0x4000  }
0x1c2: {  	p3 =	por !p3, !p3;
	[sflag:s23] =	ssyncset.done $0x0  }
.Ltmp6:
0x1c3: {  	[sflag:s23] =	ssyncadd.s32 $0xFFFFC000;
	(pc) =	sbr.rel @p3 .LBB2_6-.Ltmp6, $4  }
0x1c4: {  	[spmem:s4] =	stream.indirect.scatter.add.f32 [tilespmem:s28], [sflag:$0x5], $0x80, s10, s26, $0xb8;
	[tilespmem:$0x1EC00] =	vst v63  }
0x1c5: {  	_ =	swait.ge [sflag:s29], $0x4000  }
0x1c6: {  	[sflag:s29] =	ssyncset.done $0x0  }
0x1c7: {  	[sflag:s29] =	ssyncadd.s32 $0xFFFFC000  }
.Ltmp7:
0x1c8: {  	(pc) =	sbr.rel @p4 .LBB2_9-.Ltmp7, $4  }
.Ltmp8:
0x1c9: {  	(pc) =	sbr.rel @!p4 .LBB2_8-.Ltmp8, $4  }
0x1ca: {  	_ = 	snop  }
0x1cb: {  	_ = 	snop  }
0x1cc: {  	_ = 	snop  }
0x1cd: {  	_ = 	snop  }
.LBB2_11:
0x1ce: {  	_ =	sfence.sel $0x180000  }
0x1cf: {  	[bflag:$0x0] =	sbarrier.arrive $0xFFFF  }
0x1d0: {  	_ =	strace $0x90000047  }
0x1d1: {  	s0 =	stileid.u32;
	[bflag:$0x2] =	sbarrier.arrive $0xFFFF  }
0x1d2: {  	p0 =	sne.s32 s0, $0x0;
	s0 =	rddreg [dreg:$0x4]  }
0x1d3: {  	s0 =	sadd.s32 @!p0 $0x100000, s0  }
0x1d4: {  	[sflag:s0] =	ssyncadd.tile.s32 @!p0 $0x1;
	_ =	shalt  }
.Lfunc_end2:
_tile_overlayer_lowered:
.L_overlay_start_2:
0x1d5: {  	(tag) =	ssettag $0x2  }
0x1d6: {  	s0 =	rddreg [dreg:$0x0];
	s2 =	stileid.u32  }
0x1d7: {  	s1 =	rddreg [dreg:$0x1];
	p0 =	sne.s32 s2, $0x0  }
0x1d8: {  	s3 =	rddreg [dreg:$0x2];
	[bflag:$0x3] =	sbarrier.arrive $0xFFFF;
	s2 =	simm.s32 @!p0 $0x1C05  }
0x1d9: {  	[timem:s3], [sflag:s2] =	dma.local @!p0 [hbm:s0], s1  }
0x1da: {  	s0 =	simm.s32 @!p0 $0x5  }
0x1db: {  	_ =	swait.ge @!p0 [sflag:s0], s1  }
0x1dc: {  	s1 =	ssub.s32 @!p0 $0x0, s1;
	[sflag:s0] =	ssyncset.done @!p0 $0x0  }
0x1dd: {  	[sflag:s0] =	ssyncadd.s32 @!p0 s1  }
0x1de: {  	[bflag:$0x3] =	sbarrier.arrive $0xFFFF  }
0x1df: {  	_ =	shalt  }

</sc_bundles>
